<compile_context>
chip_gen: v7x
topology: tpu7x:2x2x1
jax: 0.10.2.dev20260603
libtpu: 0.0.44.dev20260713+nightly
codegen_flags: <defaults>
</compile_context>

<pallas_src>
import functools
import jax
import jax.numpy as jnp
from jax import lax
from jax.experimental import pallas as pl
from jax.experimental.pallas import tpu as pltpu
from jax.experimental.pallas import tpu_sc as plsc

_VOCAB = 1000
_EMBD = 64
_B = 1024
_L = 20
_NTOK = _B * _L
_BPB = 128
_TOK_BLK = _BPB * _L
_NW = 32
_BPW = _NTOK // _NW
_CHUNK = 128


def _sc_gather(xp, tp, emb128, wcat):
    mesh = plsc.VectorSubcoreMesh(
        core_axis_name="c", subcore_axis_name="s",
        num_cores=2, num_subcores=16)

    @functools.partial(
        pl.kernel,
        out_type=[
            jax.ShapeDtypeStruct((_NTOK, 128), jnp.float32),
            jax.ShapeDtypeStruct((_NTOK, 128), jnp.float32),
        ],
        mesh=mesh,
        scratch_types=[
            pltpu.VMEM((_BPW,), jnp.int32),
            pltpu.VMEM((_BPW,), jnp.int32),
            pltpu.VMEM((_CHUNK, 128), jnp.float32),
            pltpu.VMEM((_CHUNK, 128), jnp.float32),
            pltpu.VMEM((_CHUNK, 128), jnp.float32),
            pltpu.VMEM((_CHUNK, 128), jnp.float32),
            pltpu.SemaphoreType.DMA,
            pltpu.SemaphoreType.DMA,
        ],
    )
    def gather_k(x_hbm, t_hbm, emb_hbm, wcat_hbm, out_e, out_w,
                 idxp, idxt, erows_a, erows_b, wrows_a, wrows_b,
                 sem_e, sem_w):
        wid = lax.axis_index("s") * 2 + lax.axis_index("c")
        base = wid * _BPW
        pltpu.sync_copy(x_hbm.at[pl.ds(base, _BPW)], idxp)
        pltpu.sync_copy(t_hbm.at[pl.ds(base, _BPW)], idxt)

        ng = _BPW // _CHUNK
        ebufs = (erows_a, erows_b)
        wbufs = (wrows_a, wrows_b)
        cps = [None] * ng

        def _issue(g):
            sl = pl.ds(g * _CHUNK, _CHUNK)
            cps[g] = (
                pltpu.async_copy(emb_hbm.at[idxp.at[sl]], ebufs[g % 2], sem_e),
                pltpu.async_copy(wcat_hbm.at[idxt.at[sl]], wbufs[g % 2], sem_w),
            )

        def _drain(g):
            osl = pl.ds(base + g * _CHUNK, _CHUNK)
            cps[g][0].wait()
            pltpu.sync_copy(ebufs[g % 2], out_e.at[osl])
            cps[g][1].wait()
            pltpu.sync_copy(wbufs[g % 2], out_w.at[osl])

        _issue(0)
        for g in range(1, ng):
            _issue(g)
            _drain(g - 1)
        _drain(ng - 1)

    return gather_k(xp, tp, emb128, wcat)


def _fused_body(e_ref, w_ref, W_ref, bc_ref, out_ref, loss_ref):
    i = pl.program_id(0)
    W = W_ref[...]
    bc = bc_ref[...]

    e = e_ref[...][:, 0:_EMBD]
    wt = w_ref[...][:, 0:_EMBD]
    bt = w_ref[...][:, _EMBD:_EMBD + 1]

    loss_lse = jnp.zeros((), jnp.float32)
    for j in range(_L):
        e_j = e[j * _BPB:(j + 1) * _BPB, :]
        logits_t = lax.dot_general(
            W, e_j, dimension_numbers=(((1,), (1,)), ((), ())),
            preferred_element_type=jnp.float32) + bc
        out_ref[j] = logits_t

        se_j = jnp.sum(jnp.exp(logits_t), axis=0, keepdims=True)
        loss_lse += jnp.sum(jnp.log(se_j))

    tgt = jnp.sum(e * wt, axis=1, keepdims=True) + bt
    loss_part = loss_lse - jnp.sum(tgt)

    @pl.when(i == 0)
    def _():
        loss_ref[0, 0] = 0.0

    loss_ref[0, 0] += loss_part


def kernel(x, targets, emb, W, b):
    B, L = x.shape
    N = B * L
    nb = B // _BPB
    bc = b.reshape(_VOCAB, 1)
    emb128 = jnp.concatenate(
        [emb, jnp.zeros((_VOCAB, 128 - _EMBD), jnp.float32)], axis=1)
    wcat = jnp.concatenate(
        [W, bc, jnp.zeros((_VOCAB, 128 - _EMBD - 1), jnp.float32)], axis=1)

    xp = jnp.transpose(x.reshape(nb, _BPB, _L), (0, 2, 1)).reshape(-1)
    tp = jnp.transpose(targets.reshape(nb, _BPB, _L), (0, 2, 1)).reshape(-1)

    e128, w128 = _sc_gather(xp, tp, emb128, wcat)

    logits_t, loss_sum = pl.pallas_call(
        _fused_body,
        grid=(nb,),
        in_specs=[
            pl.BlockSpec((_TOK_BLK, 128), lambda i: (i, 0)),
            pl.BlockSpec((_TOK_BLK, 128), lambda i: (i, 0)),
            pl.BlockSpec((_VOCAB, _EMBD), lambda i: (0, 0)),
            pl.BlockSpec((_VOCAB, 1), lambda i: (0, 0)),
        ],
        out_specs=[
            pl.BlockSpec((_L, _VOCAB, _BPB), lambda i: (0, 0, i)),
            pl.BlockSpec(memory_space=pltpu.SMEM),
        ],
        out_shape=[
            jax.ShapeDtypeStruct((L, _VOCAB, B), jnp.float32),
            jax.ShapeDtypeStruct((1, 1), jnp.float32),
        ],
    )(e128, w128, W, bc)

    logits = jnp.transpose(logits_t, (2, 0, 1))
    loss = loss_sum[0, 0] / N
    return (logits, loss)

# --- scband reference (transcript-rebuilt; emitter-appended) ---
"""Pipeline reference for scband-neural-language-model-24927990186722 (READ-ONLY COPY).

The authoritative reference and input builder live on the scoring server;
editing this copy changes nothing except your own understanding.
"""

import jax, jax.numpy as jnp
import numpy as np

VOCAB = 1000
EMBD = 64
B = 1024
L = 20


def setup_inputs(seed: int = 0) -> dict:
    key = jax.random.key(seed)
    k1, k2, k3, k4, k5 = jax.random.split(key, 5)
    x = jax.random.randint(k1, (B, L), 0, VOCAB, dtype=jnp.int64 if jax.config.jax_enable_x64 else jnp.int32).astype(jnp.int32)
    targets = jax.random.randint(k2, (B, L), 0, VOCAB, dtype=jnp.int32)
    emb = jax.random.normal(k3, (VOCAB, EMBD), dtype=jnp.float32)
    W = jax.random.normal(k4, (VOCAB, EMBD), dtype=jnp.float32) * (1.0 / np.sqrt(EMBD))
    b = jax.random.normal(k5, (VOCAB,), dtype=jnp.float32) * 0.01
    return {"x": x, "targets": targets, "emb": emb, "W": W, "b": b}


def reference(x, targets, emb, W, b):
    # embedding lookup (gather)
    embeds = jnp.take(emb, x, axis=0)                    # [B, L, EMBD]
    # linear projection to vocab logits (torch Linear: x @ W.T + b)
    logits = jnp.einsum('bld,vd->blv', embeds, W) + b    # [B, L, VOCAB]
    # cross entropy over flattened (B*L, VOCAB)
    flat_logits = logits.reshape(B * L, VOCAB)
    flat_targets = targets.reshape(B * L)
    lse = jax.scipy.special.logsumexp(flat_logits, axis=-1)
    tgt_logit = jnp.take_along_axis(flat_logits, flat_targets[:, None], axis=-1)[:, 0]
    loss = jnp.mean(lse - tgt_logit)
    return (logits, loss)

if __name__ == "__main__":
    import jax
    _d = setup_inputs()
    print(jax.jit(kernel)(*tuple(_d.values())))

</pallas_src>

<mosaic_0001>
#map = affine_map<(d0, d1) -> (0)>
#map1 = affine_map<(d0, d1) -> (0, 0)>
module attributes {stable_mosaic.version = 14 : i64} {
  func.func @gather_k(%arg0: i32, %arg1: i32, %arg2: memref<20480xi32, #tpu.memory_space<hbm>>, %arg3: memref<20480xi32, #tpu.memory_space<hbm>>, %arg4: memref<1000x128xf32, #tpu.memory_space<hbm>>, %arg5: memref<1000x128xf32, #tpu.memory_space<hbm>>, %arg6: memref<20480x128xf32, #tpu.memory_space<hbm>>, %arg7: memref<20480x128xf32, #tpu.memory_space<hbm>>, %arg8: memref<640xi32, #tpu.memory_space<vmem>>, %arg9: memref<640xi32, #tpu.memory_space<vmem>>, %arg10: memref<128x128xf32, #tpu.memory_space<vmem>>, %arg11: memref<128x128xf32, #tpu.memory_space<vmem>>, %arg12: memref<128x128xf32, #tpu.memory_space<vmem>>, %arg13: memref<128x128xf32, #tpu.memory_space<vmem>>, %arg14: memref<!tpu.dma_semaphore, #tpu.memory_space<semaphore_mem>>, %arg15: memref<!tpu.dma_semaphore, #tpu.memory_space<semaphore_mem>>) attributes {dimension_semantics = [#tpu.dimension_semantics<core_parallel>, #tpu.dimension_semantics<subcore_parallel>], iteration_bounds = array<i64: 2, 16>, scalar_prefetch = 0 : i64, scratch_operands = 8 : i64, tpu.core_type = #tpu.core_type<sc_vector_subcore>, window_params = [{transform_indices = #map}, {transform_indices = #map}, {transform_indices = #map1}, {transform_indices = #map1}, {transform_indices = #map1}, {transform_indices = #map1}]} {
    %mul3A = arith.constant 2 : i32
    %mul3A_0 = arith.muli %arg1, %mul3A : i32
    %add3A = arith.addi %mul3A_0, %arg0 : i32
    %mul3A_1 = arith.constant 640 : i32
    %mul3A_2 = arith.muli %add3A, %mul3A_1 : i32
    "tpu.region"() ({
      %run_scoped3A = tpu.sem_alloc : memref<!tpu.dma_semaphore, #tpu.memory_space<semaphore_mem>>
      %dma_start3A_111 = tpu.memref_slice %arg2[%mul3A_2] : memref<20480xi32, #tpu.memory_space<hbm>> -> memref<640xi32, #tpu.memory_space<hbm>>
      %dma_start3A_112 = tpu.memref_slice %arg2[%mul3A_2] : memref<20480xi32, #tpu.memory_space<hbm>> -> memref<640xi32, #tpu.memory_space<hbm>>
      tpu.enqueue_dma source(%dma_start3A_112 : memref<640xi32, #tpu.memory_space<hbm>>) target(%arg8 : memref<640xi32, #tpu.memory_space<vmem>>) target_semaphore(%run_scoped3A : memref<!tpu.dma_semaphore, #tpu.memory_space<semaphore_mem>>)
      %dma_wait3A_113 = tpu.memref_slice %arg2[%mul3A_2] : memref<20480xi32, #tpu.memory_space<hbm>> -> memref<640xi32, #tpu.memory_space<hbm>>
      %dma_wait3A_114 = tpu.memref_slice %arg2[%mul3A_2] : memref<20480xi32, #tpu.memory_space<hbm>> -> memref<640xi32, #tpu.memory_space<hbm>>
      tpu.wait_dma2 semaphore(%run_scoped3A : memref<!tpu.dma_semaphore, #tpu.memory_space<semaphore_mem>>) src(%dma_wait3A_114 : memref<640xi32, #tpu.memory_space<hbm>>) dst(%arg8 : memref<640xi32, #tpu.memory_space<vmem>>)
      tpu.yield
    }) : () -> ()
    "tpu.region"() ({
      %run_scoped3A = tpu.sem_alloc : memref<!tpu.dma_semaphore, #tpu.memory_space<semaphore_mem>>
      %dma_start3A_111 = tpu.memref_slice %arg3[%mul3A_2] : memref<20480xi32, #tpu.memory_space<hbm>> -> memref<640xi32, #tpu.memory_space<hbm>>
      %dma_start3A_112 = tpu.memref_slice %arg3[%mul3A_2] : memref<20480xi32, #tpu.memory_space<hbm>> -> memref<640xi32, #tpu.memory_space<hbm>>
      tpu.enqueue_dma source(%dma_start3A_112 : memref<640xi32, #tpu.memory_space<hbm>>) target(%arg9 : memref<640xi32, #tpu.memory_space<vmem>>) target_semaphore(%run_scoped3A : memref<!tpu.dma_semaphore, #tpu.memory_space<semaphore_mem>>)
      %dma_wait3A_113 = tpu.memref_slice %arg3[%mul3A_2] : memref<20480xi32, #tpu.memory_space<hbm>> -> memref<640xi32, #tpu.memory_space<hbm>>
      %dma_wait3A_114 = tpu.memref_slice %arg3[%mul3A_2] : memref<20480xi32, #tpu.memory_space<hbm>> -> memref<640xi32, #tpu.memory_space<hbm>>
      tpu.wait_dma2 semaphore(%run_scoped3A : memref<!tpu.dma_semaphore, #tpu.memory_space<semaphore_mem>>) src(%dma_wait3A_114 : memref<640xi32, #tpu.memory_space<hbm>>) dst(%arg9 : memref<640xi32, #tpu.memory_space<vmem>>)
      tpu.yield
    }) : () -> ()
    %dma_start3A = arith.constant 0 : i32
    %dma_start3A_3 = tpu.memref_slice %arg8[%dma_start3A] : memref<640xi32, #tpu.memory_space<vmem>> -> memref<128xi32, #tpu.memory_space<vmem>>
    %dma_start3A_4 = arith.constant 0 : i32
    %dma_start3A_5 = arith.constant 0 : i32
    %dma_start3A_6 = tpu.memref_slice %arg4[%dma_start3A_4, %dma_start3A_5] : memref<1000x128xf32, #tpu.memory_space<hbm>> -> memref<1000x128xf32, #tpu.memory_space<hbm>>
    tpu.enqueue_indirect_dma source(%dma_start3A_6 : memref<1000x128xf32, #tpu.memory_space<hbm>>) target(%arg10 : memref<128x128xf32, #tpu.memory_space<vmem>>) offsets(%dma_start3A_3 : memref<128xi32, #tpu.memory_space<vmem>>) semaphore(%arg14 : memref<!tpu.dma_semaphore, #tpu.memory_space<semaphore_mem>>)
    %dma_start3A_7 = arith.constant 0 : i32
    %dma_start3A_8 = tpu.memref_slice %arg9[%dma_start3A_7] : memref<640xi32, #tpu.memory_space<vmem>> -> memref<128xi32, #tpu.memory_space<vmem>>
    %dma_start3A_9 = arith.constant 0 : i32
    %dma_start3A_10 = arith.constant 0 : i32
    %dma_start3A_11 = tpu.memref_slice %arg5[%dma_start3A_9, %dma_start3A_10] : memref<1000x128xf32, #tpu.memory_space<hbm>> -> memref<1000x128xf32, #tpu.memory_space<hbm>>
    tpu.enqueue_indirect_dma source(%dma_start3A_11 : memref<1000x128xf32, #tpu.memory_space<hbm>>) target(%arg12 : memref<128x128xf32, #tpu.memory_space<vmem>>) offsets(%dma_start3A_8 : memref<128xi32, #tpu.memory_space<vmem>>) semaphore(%arg15 : memref<!tpu.dma_semaphore, #tpu.memory_space<semaphore_mem>>)
    %dma_start3A_12 = arith.constant 128 : i32
    %dma_start3A_13 = tpu.memref_slice %arg8[%dma_start3A_12] : memref<640xi32, #tpu.memory_space<vmem>> -> memref<128xi32, #tpu.memory_space<vmem>>
    %dma_start3A_14 = arith.constant 0 : i32
    %dma_start3A_15 = arith.constant 0 : i32
    %dma_start3A_16 = tpu.memref_slice %arg4[%dma_start3A_14, %dma_start3A_15] : memref<1000x128xf32, #tpu.memory_space<hbm>> -> memref<1000x128xf32, #tpu.memory_space<hbm>>
    tpu.enqueue_indirect_dma source(%dma_start3A_16 : memref<1000x128xf32, #tpu.memory_space<hbm>>) target(%arg11 : memref<128x128xf32, #tpu.memory_space<vmem>>) offsets(%dma_start3A_13 : memref<128xi32, #tpu.memory_space<vmem>>) semaphore(%arg14 : memref<!tpu.dma_semaphore, #tpu.memory_space<semaphore_mem>>)
    %dma_start3A_17 = arith.constant 128 : i32
    %dma_start3A_18 = tpu.memref_slice %arg9[%dma_start3A_17] : memref<640xi32, #tpu.memory_space<vmem>> -> memref<128xi32, #tpu.memory_space<vmem>>
    %dma_start3A_19 = arith.constant 0 : i32
    %dma_start3A_20 = arith.constant 0 : i32
    %dma_start3A_21 = tpu.memref_slice %arg5[%dma_start3A_19, %dma_start3A_20] : memref<1000x128xf32, #tpu.memory_space<hbm>> -> memref<1000x128xf32, #tpu.memory_space<hbm>>
    tpu.enqueue_indirect_dma source(%dma_start3A_21 : memref<1000x128xf32, #tpu.memory_space<hbm>>) target(%arg13 : memref<128x128xf32, #tpu.memory_space<vmem>>) offsets(%dma_start3A_18 : memref<128xi32, #tpu.memory_space<vmem>>) semaphore(%arg15 : memref<!tpu.dma_semaphore, #tpu.memory_space<semaphore_mem>>)
    %add3A_22 = arith.constant 0 : i32
    %add3A_23 = arith.addi %mul3A_2, %add3A_22 : i32
    %dma_wait3A = arith.constant 0 : i32
    %dma_wait3A_24 = tpu.memref_slice %arg8[%dma_wait3A] : memref<640xi32, #tpu.memory_space<vmem>> -> memref<128xi32, #tpu.memory_space<vmem>>
    %dma_wait3A_25 = arith.constant 0 : i32
    %dma_wait3A_26 = arith.constant 0 : i32
    %dma_wait3A_27 = tpu.memref_slice %arg4[%dma_wait3A_25, %dma_wait3A_26] : memref<1000x128xf32, #tpu.memory_space<hbm>> -> memref<1000x128xf32, #tpu.memory_space<hbm>>
    tpu.wait_indirect_dma semaphore(%arg14 : memref<!tpu.dma_semaphore, #tpu.memory_space<semaphore_mem>>) src(%dma_wait3A_27 : memref<1000x128xf32, #tpu.memory_space<hbm>>) dst(%arg10 : memref<128x128xf32, #tpu.memory_space<vmem>>)
    "tpu.region"() ({
      %run_scoped3A = tpu.sem_alloc : memref<!tpu.dma_semaphore, #tpu.memory_space<semaphore_mem>>
      %dma_start3A_111 = arith.constant 0 : i32
      %dma_start3A_112 = tpu.memref_slice %arg6[%add3A_23, %dma_start3A_111] : memref<20480x128xf32, #tpu.memory_space<hbm>> -> memref<128x128xf32, #tpu.memory_space<hbm>>
      %dma_start3A_113 = arith.constant 0 : i32
      %dma_start3A_114 = tpu.memref_slice %arg6[%add3A_23, %dma_start3A_113] : memref<20480x128xf32, #tpu.memory_space<hbm>> -> memref<128x128xf32, #tpu.memory_space<hbm>>
      tpu.enqueue_dma source(%arg10 : memref<128x128xf32, #tpu.memory_space<vmem>>) target(%dma_start3A_114 : memref<128x128xf32, #tpu.memory_space<hbm>>) target_semaphore(%run_scoped3A : memref<!tpu.dma_semaphore, #tpu.memory_space<semaphore_mem>>)
      %dma_wait3A_115 = arith.constant 0 : i32
      %dma_wait3A_116 = tpu.memref_slice %arg6[%add3A_23, %dma_wait3A_115] : memref<20480x128xf32, #tpu.memory_space<hbm>> -> memref<128x128xf32, #tpu.memory_space<hbm>>
      %dma_wait3A_117 = arith.constant 0 : i32
      %dma_wait3A_118 = tpu.memref_slice %arg6[%add3A_23, %dma_wait3A_117] : memref<20480x128xf32, #tpu.memory_space<hbm>> -> memref<128x128xf32, #tpu.memory_space<hbm>>
      tpu.wait_dma2 semaphore(%run_scoped3A : memref<!tpu.dma_semaphore, #tpu.memory_space<semaphore_mem>>) src(%arg10 : memref<128x128xf32, #tpu.memory_space<vmem>>) dst(%dma_wait3A_118 : memref<128x128xf32, #tpu.memory_space<hbm>>)
      tpu.yield
    }) : () -> ()
    %dma_wait3A_28 = arith.constant 0 : i32
    %dma_wait3A_29 = tpu.memref_slice %arg9[%dma_wait3A_28] : memref<640xi32, #tpu.memory_space<vmem>> -> memref<128xi32, #tpu.memory_space<vmem>>
    %dma_wait3A_30 = arith.constant 0 : i32
    %dma_wait3A_31 = arith.constant 0 : i32
    %dma_wait3A_32 = tpu.memref_slice %arg5[%dma_wait3A_30, %dma_wait3A_31] : memref<1000x128xf32, #tpu.memory_space<hbm>> -> memref<1000x128xf32, #tpu.memory_space<hbm>>
    tpu.wait_indirect_dma semaphore(%arg15 : memref<!tpu.dma_semaphore, #tpu.memory_space<semaphore_mem>>) src(%dma_wait3A_32 : memref<1000x128xf32, #tpu.memory_space<hbm>>) dst(%arg12 : memref<128x128xf32, #tpu.memory_space<vmem>>)
    "tpu.region"() ({
      %run_scoped3A = tpu.sem_alloc : memref<!tpu.dma_semaphore, #tpu.memory_space<semaphore_mem>>
      %dma_start3A_111 = arith.constant 0 : i32
      %dma_start3A_112 = tpu.memref_slice %arg7[%add3A_23, %dma_start3A_111] : memref<20480x128xf32, #tpu.memory_space<hbm>> -> memref<128x128xf32, #tpu.memory_space<hbm>>
      %dma_start3A_113 = arith.constant 0 : i32
      %dma_start3A_114 = tpu.memref_slice %arg7[%add3A_23, %dma_start3A_113] : memref<20480x128xf32, #tpu.memory_space<hbm>> -> memref<128x128xf32, #tpu.memory_space<hbm>>
      tpu.enqueue_dma source(%arg12 : memref<128x128xf32, #tpu.memory_space<vmem>>) target(%dma_start3A_114 : memref<128x128xf32, #tpu.memory_space<hbm>>) target_semaphore(%run_scoped3A : memref<!tpu.dma_semaphore, #tpu.memory_space<semaphore_mem>>)
      %dma_wait3A_115 = arith.constant 0 : i32
      %dma_wait3A_116 = tpu.memref_slice %arg7[%add3A_23, %dma_wait3A_115] : memref<20480x128xf32, #tpu.memory_space<hbm>> -> memref<128x128xf32, #tpu.memory_space<hbm>>
      %dma_wait3A_117 = arith.constant 0 : i32
      %dma_wait3A_118 = tpu.memref_slice %arg7[%add3A_23, %dma_wait3A_117] : memref<20480x128xf32, #tpu.memory_space<hbm>> -> memref<128x128xf32, #tpu.memory_space<hbm>>
      tpu.wait_dma2 semaphore(%run_scoped3A : memref<!tpu.dma_semaphore, #tpu.memory_space<semaphore_mem>>) src(%arg12 : memref<128x128xf32, #tpu.memory_space<vmem>>) dst(%dma_wait3A_118 : memref<128x128xf32, #tpu.memory_space<hbm>>)
      tpu.yield
    }) : () -> ()
    %dma_start3A_33 = arith.constant 256 : i32
    %dma_start3A_34 = tpu.memref_slice %arg8[%dma_start3A_33] : memref<640xi32, #tpu.memory_space<vmem>> -> memref<128xi32, #tpu.memory_space<vmem>>
    %dma_start3A_35 = arith.constant 0 : i32
    %dma_start3A_36 = arith.constant 0 : i32
    %dma_start3A_37 = tpu.memref_slice %arg4[%dma_start3A_35, %dma_start3A_36] : memref<1000x128xf32, #tpu.memory_space<hbm>> -> memref<1000x128xf32, #tpu.memory_space<hbm>>
    tpu.enqueue_indirect_dma source(%dma_start3A_37 : memref<1000x128xf32, #tpu.memory_space<hbm>>) target(%arg10 : memref<128x128xf32, #tpu.memory_space<vmem>>) offsets(%dma_start3A_34 : memref<128xi32, #tpu.memory_space<vmem>>) semaphore(%arg14 : memref<!tpu.dma_semaphore, #tpu.memory_space<semaphore_mem>>)
    %dma_start3A_38 = arith.constant 256 : i32
    %dma_start3A_39 = tpu.memref_slice %arg9[%dma_start3A_38] : memref<640xi32, #tpu.memory_space<vmem>> -> memref<128xi32, #tpu.memory_space<vmem>>
    %dma_start3A_40 = arith.constant 0 : i32
    %dma_start3A_41 = arith.constant 0 : i32
    %dma_start3A_42 = tpu.memref_slice %arg5[%dma_start3A_40, %dma_start3A_41] : memref<1000x128xf32, #tpu.memory_space<hbm>> -> memref<1000x128xf32, #tpu.memory_space<hbm>>
    tpu.enqueue_indirect_dma source(%dma_start3A_42 : memref<1000x128xf32, #tpu.memory_space<hbm>>) target(%arg12 : memref<128x128xf32, #tpu.memory_space<vmem>>) offsets(%dma_start3A_39 : memref<128xi32, #tpu.memory_space<vmem>>) semaphore(%arg15 : memref<!tpu.dma_semaphore, #tpu.memory_space<semaphore_mem>>)
    %add3A_43 = arith.constant 128 : i32
    %add3A_44 = arith.addi %mul3A_2, %add3A_43 : i32
    %dma_wait3A_45 = arith.constant 128 : i32
    %dma_wait3A_46 = tpu.memref_slice %arg8[%dma_wait3A_45] : memref<640xi32, #tpu.memory_space<vmem>> -> memref<128xi32, #tpu.memory_space<vmem>>
    %dma_wait3A_47 = arith.constant 0 : i32
    %dma_wait3A_48 = arith.constant 0 : i32
    %dma_wait3A_49 = tpu.memref_slice %arg4[%dma_wait3A_47, %dma_wait3A_48] : memref<1000x128xf32, #tpu.memory_space<hbm>> -> memref<1000x128xf32, #tpu.memory_space<hbm>>
    tpu.wait_indirect_dma semaphore(%arg14 : memref<!tpu.dma_semaphore, #tpu.memory_space<semaphore_mem>>) src(%dma_wait3A_49 : memref<1000x128xf32, #tpu.memory_space<hbm>>) dst(%arg11 : memref<128x128xf32, #tpu.memory_space<vmem>>)
    "tpu.region"() ({
      %run_scoped3A = tpu.sem_alloc : memref<!tpu.dma_semaphore, #tpu.memory_space<semaphore_mem>>
      %dma_start3A_111 = arith.constant 0 : i32
      %dma_start3A_112 = tpu.memref_slice %arg6[%add3A_44, %dma_start3A_111] : memref<20480x128xf32, #tpu.memory_space<hbm>> -> memref<128x128xf32, #tpu.memory_space<hbm>>
      %dma_start3A_113 = arith.constant 0 : i32
      %dma_start3A_114 = tpu.memref_slice %arg6[%add3A_44, %dma_start3A_113] : memref<20480x128xf32, #tpu.memory_space<hbm>> -> memref<128x128xf32, #tpu.memory_space<hbm>>
      tpu.enqueue_dma source(%arg11 : memref<128x128xf32, #tpu.memory_space<vmem>>) target(%dma_start3A_114 : memref<128x128xf32, #tpu.memory_space<hbm>>) target_semaphore(%run_scoped3A : memref<!tpu.dma_semaphore, #tpu.memory_space<semaphore_mem>>)
      %dma_wait3A_115 = arith.constant 0 : i32
      %dma_wait3A_116 = tpu.memref_slice %arg6[%add3A_44, %dma_wait3A_115] : memref<20480x128xf32, #tpu.memory_space<hbm>> -> memref<128x128xf32, #tpu.memory_space<hbm>>
      %dma_wait3A_117 = arith.constant 0 : i32
      %dma_wait3A_118 = tpu.memref_slice %arg6[%add3A_44, %dma_wait3A_117] : memref<20480x128xf32, #tpu.memory_space<hbm>> -> memref<128x128xf32, #tpu.memory_space<hbm>>
      tpu.wait_dma2 semaphore(%run_scoped3A : memref<!tpu.dma_semaphore, #tpu.memory_space<semaphore_mem>>) src(%arg11 : memref<128x128xf32, #tpu.memory_space<vmem>>) dst(%dma_wait3A_118 : memref<128x128xf32, #tpu.memory_space<hbm>>)
      tpu.yield
    }) : () -> ()
    %dma_wait3A_50 = arith.constant 128 : i32
    %dma_wait3A_51 = tpu.memref_slice %arg9[%dma_wait3A_50] : memref<640xi32, #tpu.memory_space<vmem>> -> memref<128xi32, #tpu.memory_space<vmem>>
    %dma_wait3A_52 = arith.constant 0 : i32
    %dma_wait3A_53 = arith.constant 0 : i32
    %dma_wait3A_54 = tpu.memref_slice %arg5[%dma_wait3A_52, %dma_wait3A_53] : memref<1000x128xf32, #tpu.memory_space<hbm>> -> memref<1000x128xf32, #tpu.memory_space<hbm>>
    tpu.wait_indirect_dma semaphore(%arg15 : memref<!tpu.dma_semaphore, #tpu.memory_space<semaphore_mem>>) src(%dma_wait3A_54 : memref<1000x128xf32, #tpu.memory_space<hbm>>) dst(%arg13 : memref<128x128xf32, #tpu.memory_space<vmem>>)
    "tpu.region"() ({
      %run_scoped3A = tpu.sem_alloc : memref<!tpu.dma_semaphore, #tpu.memory_space<semaphore_mem>>
      %dma_start3A_111 = arith.constant 0 : i32
      %dma_start3A_112 = tpu.memref_slice %arg7[%add3A_44, %dma_start3A_111] : memref<20480x128xf32, #tpu.memory_space<hbm>> -> memref<128x128xf32, #tpu.memory_space<hbm>>
      %dma_start3A_113 = arith.constant 0 : i32
      %dma_start3A_114 = tpu.memref_slice %arg7[%add3A_44, %dma_start3A_113] : memref<20480x128xf32, #tpu.memory_space<hbm>> -> memref<128x128xf32, #tpu.memory_space<hbm>>
      tpu.enqueue_dma source(%arg13 : memref<128x128xf32, #tpu.memory_space<vmem>>) target(%dma_start3A_114 : memref<128x128xf32, #tpu.memory_space<hbm>>) target_semaphore(%run_scoped3A : memref<!tpu.dma_semaphore, #tpu.memory_space<semaphore_mem>>)
      %dma_wait3A_115 = arith.constant 0 : i32
      %dma_wait3A_116 = tpu.memref_slice %arg7[%add3A_44, %dma_wait3A_115] : memref<20480x128xf32, #tpu.memory_space<hbm>> -> memref<128x128xf32, #tpu.memory_space<hbm>>
      %dma_wait3A_117 = arith.constant 0 : i32
      %dma_wait3A_118 = tpu.memref_slice %arg7[%add3A_44, %dma_wait3A_117] : memref<20480x128xf32, #tpu.memory_space<hbm>> -> memref<128x128xf32, #tpu.memory_space<hbm>>
      tpu.wait_dma2 semaphore(%run_scoped3A : memref<!tpu.dma_semaphore, #tpu.memory_space<semaphore_mem>>) src(%arg13 : memref<128x128xf32, #tpu.memory_space<vmem>>) dst(%dma_wait3A_118 : memref<128x128xf32, #tpu.memory_space<hbm>>)
      tpu.yield
    }) : () -> ()
    %dma_start3A_55 = arith.constant 384 : i32
    %dma_start3A_56 = tpu.memref_slice %arg8[%dma_start3A_55] : memref<640xi32, #tpu.memory_space<vmem>> -> memref<128xi32, #tpu.memory_space<vmem>>
    %dma_start3A_57 = arith.constant 0 : i32
    %dma_start3A_58 = arith.constant 0 : i32
    %dma_start3A_59 = tpu.memref_slice %arg4[%dma_start3A_57, %dma_start3A_58] : memref<1000x128xf32, #tpu.memory_space<hbm>> -> memref<1000x128xf32, #tpu.memory_space<hbm>>
    tpu.enqueue_indirect_dma source(%dma_start3A_59 : memref<1000x128xf32, #tpu.memory_space<hbm>>) target(%arg11 : memref<128x128xf32, #tpu.memory_space<vmem>>) offsets(%dma_start3A_56 : memref<128xi32, #tpu.memory_space<vmem>>) semaphore(%arg14 : memref<!tpu.dma_semaphore, #tpu.memory_space<semaphore_mem>>)
    %dma_start3A_60 = arith.constant 384 : i32
    %dma_start3A_61 = tpu.memref_slice %arg9[%dma_start3A_60] : memref<640xi32, #tpu.memory_space<vmem>> -> memref<128xi32, #tpu.memory_space<vmem>>
    %dma_start3A_62 = arith.constant 0 : i32
    %dma_start3A_63 = arith.constant 0 : i32
    %dma_start3A_64 = tpu.memref_slice %arg5[%dma_start3A_62, %dma_start3A_63] : memref<1000x128xf32, #tpu.memory_space<hbm>> -> memref<1000x128xf32, #tpu.memory_space<hbm>>
    tpu.enqueue_indirect_dma source(%dma_start3A_64 : memref<1000x128xf32, #tpu.memory_space<hbm>>) target(%arg13 : memref<128x128xf32, #tpu.memory_space<vmem>>) offsets(%dma_start3A_61 : memref<128xi32, #tpu.memory_space<vmem>>) semaphore(%arg15 : memref<!tpu.dma_semaphore, #tpu.memory_space<semaphore_mem>>)
    %add3A_65 = arith.constant 256 : i32
    %add3A_66 = arith.addi %mul3A_2, %add3A_65 : i32
    %dma_wait3A_67 = arith.constant 256 : i32
    %dma_wait3A_68 = tpu.memref_slice %arg8[%dma_wait3A_67] : memref<640xi32, #tpu.memory_space<vmem>> -> memref<128xi32, #tpu.memory_space<vmem>>
    %dma_wait3A_69 = arith.constant 0 : i32
    %dma_wait3A_70 = arith.constant 0 : i32
    %dma_wait3A_71 = tpu.memref_slice %arg4[%dma_wait3A_69, %dma_wait3A_70] : memref<1000x128xf32, #tpu.memory_space<hbm>> -> memref<1000x128xf32, #tpu.memory_space<hbm>>
    tpu.wait_indirect_dma semaphore(%arg14 : memref<!tpu.dma_semaphore, #tpu.memory_space<semaphore_mem>>) src(%dma_wait3A_71 : memref<1000x128xf32, #tpu.memory_space<hbm>>) dst(%arg10 : memref<128x128xf32, #tpu.memory_space<vmem>>)
    "tpu.region"() ({
      %run_scoped3A = tpu.sem_alloc : memref<!tpu.dma_semaphore, #tpu.memory_space<semaphore_mem>>
      %dma_start3A_111 = arith.constant 0 : i32
      %dma_start3A_112 = tpu.memref_slice %arg6[%add3A_66, %dma_start3A_111] : memref<20480x128xf32, #tpu.memory_space<hbm>> -> memref<128x128xf32, #tpu.memory_space<hbm>>
      %dma_start3A_113 = arith.constant 0 : i32
      %dma_start3A_114 = tpu.memref_slice %arg6[%add3A_66, %dma_start3A_113] : memref<20480x128xf32, #tpu.memory_space<hbm>> -> memref<128x128xf32, #tpu.memory_space<hbm>>
      tpu.enqueue_dma source(%arg10 : memref<128x128xf32, #tpu.memory_space<vmem>>) target(%dma_start3A_114 : memref<128x128xf32, #tpu.memory_space<hbm>>) target_semaphore(%run_scoped3A : memref<!tpu.dma_semaphore, #tpu.memory_space<semaphore_mem>>)
      %dma_wait3A_115 = arith.constant 0 : i32
      %dma_wait3A_116 = tpu.memref_slice %arg6[%add3A_66, %dma_wait3A_115] : memref<20480x128xf32, #tpu.memory_space<hbm>> -> memref<128x128xf32, #tpu.memory_space<hbm>>
      %dma_wait3A_117 = arith.constant 0 : i32
      %dma_wait3A_118 = tpu.memref_slice %arg6[%add3A_66, %dma_wait3A_117] : memref<20480x128xf32, #tpu.memory_space<hbm>> -> memref<128x128xf32, #tpu.memory_space<hbm>>
      tpu.wait_dma2 semaphore(%run_scoped3A : memref<!tpu.dma_semaphore, #tpu.memory_space<semaphore_mem>>) src(%arg10 : memref<128x128xf32, #tpu.memory_space<vmem>>) dst(%dma_wait3A_118 : memref<128x128xf32, #tpu.memory_space<hbm>>)
      tpu.yield
    }) : () -> ()
    %dma_wait3A_72 = arith.constant 256 : i32
    %dma_wait3A_73 = tpu.memref_slice %arg9[%dma_wait3A_72] : memref<640xi32, #tpu.memory_space<vmem>> -> memref<128xi32, #tpu.memory_space<vmem>>
    %dma_wait3A_74 = arith.constant 0 : i32
    %dma_wait3A_75 = arith.constant 0 : i32
    %dma_wait3A_76 = tpu.memref_slice %arg5[%dma_wait3A_74, %dma_wait3A_75] : memref<1000x128xf32, #tpu.memory_space<hbm>> -> memref<1000x128xf32, #tpu.memory_space<hbm>>
    tpu.wait_indirect_dma semaphore(%arg15 : memref<!tpu.dma_semaphore, #tpu.memory_space<semaphore_mem>>) src(%dma_wait3A_76 : memref<1000x128xf32, #tpu.memory_space<hbm>>) dst(%arg12 : memref<128x128xf32, #tpu.memory_space<vmem>>)
    "tpu.region"() ({
      %run_scoped3A = tpu.sem_alloc : memref<!tpu.dma_semaphore, #tpu.memory_space<semaphore_mem>>
      %dma_start3A_111 = arith.constant 0 : i32
      %dma_start3A_112 = tpu.memref_slice %arg7[%add3A_66, %dma_start3A_111] : memref<20480x128xf32, #tpu.memory_space<hbm>> -> memref<128x128xf32, #tpu.memory_space<hbm>>
      %dma_start3A_113 = arith.constant 0 : i32
      %dma_start3A_114 = tpu.memref_slice %arg7[%add3A_66, %dma_start3A_113] : memref<20480x128xf32, #tpu.memory_space<hbm>> -> memref<128x128xf32, #tpu.memory_space<hbm>>
      tpu.enqueue_dma source(%arg12 : memref<128x128xf32, #tpu.memory_space<vmem>>) target(%dma_start3A_114 : memref<128x128xf32, #tpu.memory_space<hbm>>) target_semaphore(%run_scoped3A : memref<!tpu.dma_semaphore, #tpu.memory_space<semaphore_mem>>)
      %dma_wait3A_115 = arith.constant 0 : i32
      %dma_wait3A_116 = tpu.memref_slice %arg7[%add3A_66, %dma_wait3A_115] : memref<20480x128xf32, #tpu.memory_space<hbm>> -> memref<128x128xf32, #tpu.memory_space<hbm>>
      %dma_wait3A_117 = arith.constant 0 : i32
      %dma_wait3A_118 = tpu.memref_slice %arg7[%add3A_66, %dma_wait3A_117] : memref<20480x128xf32, #tpu.memory_space<hbm>> -> memref<128x128xf32, #tpu.memory_space<hbm>>
      tpu.wait_dma2 semaphore(%run_scoped3A : memref<!tpu.dma_semaphore, #tpu.memory_space<semaphore_mem>>) src(%arg12 : memref<128x128xf32, #tpu.memory_space<vmem>>) dst(%dma_wait3A_118 : memref<128x128xf32, #tpu.memory_space<hbm>>)
      tpu.yield
    }) : () -> ()
    %dma_start3A_77 = arith.constant 512 : i32
    %dma_start3A_78 = tpu.memref_slice %arg8[%dma_start3A_77] : memref<640xi32, #tpu.memory_space<vmem>> -> memref<128xi32, #tpu.memory_space<vmem>>
    %dma_start3A_79 = arith.constant 0 : i32
    %dma_start3A_80 = arith.constant 0 : i32
    %dma_start3A_81 = tpu.memref_slice %arg4[%dma_start3A_79, %dma_start3A_80] : memref<1000x128xf32, #tpu.memory_space<hbm>> -> memref<1000x128xf32, #tpu.memory_space<hbm>>
    tpu.enqueue_indirect_dma source(%dma_start3A_81 : memref<1000x128xf32, #tpu.memory_space<hbm>>) target(%arg10 : memref<128x128xf32, #tpu.memory_space<vmem>>) offsets(%dma_start3A_78 : memref<128xi32, #tpu.memory_space<vmem>>) semaphore(%arg14 : memref<!tpu.dma_semaphore, #tpu.memory_space<semaphore_mem>>)
    %dma_start3A_82 = arith.constant 512 : i32
    %dma_start3A_83 = tpu.memref_slice %arg9[%dma_start3A_82] : memref<640xi32, #tpu.memory_space<vmem>> -> memref<128xi32, #tpu.memory_space<vmem>>
    %dma_start3A_84 = arith.constant 0 : i32
    %dma_start3A_85 = arith.constant 0 : i32
    %dma_start3A_86 = tpu.memref_slice %arg5[%dma_start3A_84, %dma_start3A_85] : memref<1000x128xf32, #tpu.memory_space<hbm>> -> memref<1000x128xf32, #tpu.memory_space<hbm>>
    tpu.enqueue_indirect_dma source(%dma_start3A_86 : memref<1000x128xf32, #tpu.memory_space<hbm>>) target(%arg12 : memref<128x128xf32, #tpu.memory_space<vmem>>) offsets(%dma_start3A_83 : memref<128xi32, #tpu.memory_space<vmem>>) semaphore(%arg15 : memref<!tpu.dma_semaphore, #tpu.memory_space<semaphore_mem>>)
    %add3A_87 = arith.constant 384 : i32
    %add3A_88 = arith.addi %mul3A_2, %add3A_87 : i32
    %dma_wait3A_89 = arith.constant 384 : i32
    %dma_wait3A_90 = tpu.memref_slice %arg8[%dma_wait3A_89] : memref<640xi32, #tpu.memory_space<vmem>> -> memref<128xi32, #tpu.memory_space<vmem>>
    %dma_wait3A_91 = arith.constant 0 : i32
    %dma_wait3A_92 = arith.constant 0 : i32
    %dma_wait3A_93 = tpu.memref_slice %arg4[%dma_wait3A_91, %dma_wait3A_92] : memref<1000x128xf32, #tpu.memory_space<hbm>> -> memref<1000x128xf32, #tpu.memory_space<hbm>>
    tpu.wait_indirect_dma semaphore(%arg14 : memref<!tpu.dma_semaphore, #tpu.memory_space<semaphore_mem>>) src(%dma_wait3A_93 : memref<1000x128xf32, #tpu.memory_space<hbm>>) dst(%arg11 : memref<128x128xf32, #tpu.memory_space<vmem>>)
    "tpu.region"() ({
      %run_scoped3A = tpu.sem_alloc : memref<!tpu.dma_semaphore, #tpu.memory_space<semaphore_mem>>
      %dma_start3A_111 = arith.constant 0 : i32
      %dma_start3A_112 = tpu.memref_slice %arg6[%add3A_88, %dma_start3A_111] : memref<20480x128xf32, #tpu.memory_space<hbm>> -> memref<128x128xf32, #tpu.memory_space<hbm>>
      %dma_start3A_113 = arith.constant 0 : i32
      %dma_start3A_114 = tpu.memref_slice %arg6[%add3A_88, %dma_start3A_113] : memref<20480x128xf32, #tpu.memory_space<hbm>> -> memref<128x128xf32, #tpu.memory_space<hbm>>
      tpu.enqueue_dma source(%arg11 : memref<128x128xf32, #tpu.memory_space<vmem>>) target(%dma_start3A_114 : memref<128x128xf32, #tpu.memory_space<hbm>>) target_semaphore(%run_scoped3A : memref<!tpu.dma_semaphore, #tpu.memory_space<semaphore_mem>>)
      %dma_wait3A_115 = arith.constant 0 : i32
      %dma_wait3A_116 = tpu.memref_slice %arg6[%add3A_88, %dma_wait3A_115] : memref<20480x128xf32, #tpu.memory_space<hbm>> -> memref<128x128xf32, #tpu.memory_space<hbm>>
      %dma_wait3A_117 = arith.constant 0 : i32
      %dma_wait3A_118 = tpu.memref_slice %arg6[%add3A_88, %dma_wait3A_117] : memref<20480x128xf32, #tpu.memory_space<hbm>> -> memref<128x128xf32, #tpu.memory_space<hbm>>
      tpu.wait_dma2 semaphore(%run_scoped3A : memref<!tpu.dma_semaphore, #tpu.memory_space<semaphore_mem>>) src(%arg11 : memref<128x128xf32, #tpu.memory_space<vmem>>) dst(%dma_wait3A_118 : memref<128x128xf32, #tpu.memory_space<hbm>>)
      tpu.yield
    }) : () -> ()
    %dma_wait3A_94 = arith.constant 384 : i32
    %dma_wait3A_95 = tpu.memref_slice %arg9[%dma_wait3A_94] : memref<640xi32, #tpu.memory_space<vmem>> -> memref<128xi32, #tpu.memory_space<vmem>>
    %dma_wait3A_96 = arith.constant 0 : i32
    %dma_wait3A_97 = arith.constant 0 : i32
    %dma_wait3A_98 = tpu.memref_slice %arg5[%dma_wait3A_96, %dma_wait3A_97] : memref<1000x128xf32, #tpu.memory_space<hbm>> -> memref<1000x128xf32, #tpu.memory_space<hbm>>
    tpu.wait_indirect_dma semaphore(%arg15 : memref<!tpu.dma_semaphore, #tpu.memory_space<semaphore_mem>>) src(%dma_wait3A_98 : memref<1000x128xf32, #tpu.memory_space<hbm>>) dst(%arg13 : memref<128x128xf32, #tpu.memory_space<vmem>>)
    "tpu.region"() ({
      %run_scoped3A = tpu.sem_alloc : memref<!tpu.dma_semaphore, #tpu.memory_space<semaphore_mem>>
      %dma_start3A_111 = arith.constant 0 : i32
      %dma_start3A_112 = tpu.memref_slice %arg7[%add3A_88, %dma_start3A_111] : memref<20480x128xf32, #tpu.memory_space<hbm>> -> memref<128x128xf32, #tpu.memory_space<hbm>>
      %dma_start3A_113 = arith.constant 0 : i32
      %dma_start3A_114 = tpu.memref_slice %arg7[%add3A_88, %dma_start3A_113] : memref<20480x128xf32, #tpu.memory_space<hbm>> -> memref<128x128xf32, #tpu.memory_space<hbm>>
      tpu.enqueue_dma source(%arg13 : memref<128x128xf32, #tpu.memory_space<vmem>>) target(%dma_start3A_114 : memref<128x128xf32, #tpu.memory_space<hbm>>) target_semaphore(%run_scoped3A : memref<!tpu.dma_semaphore, #tpu.memory_space<semaphore_mem>>)
      %dma_wait3A_115 = arith.constant 0 : i32
      %dma_wait3A_116 = tpu.memref_slice %arg7[%add3A_88, %dma_wait3A_115] : memref<20480x128xf32, #tpu.memory_space<hbm>> -> memref<128x128xf32, #tpu.memory_space<hbm>>
      %dma_wait3A_117 = arith.constant 0 : i32
      %dma_wait3A_118 = tpu.memref_slice %arg7[%add3A_88, %dma_wait3A_117] : memref<20480x128xf32, #tpu.memory_space<hbm>> -> memref<128x128xf32, #tpu.memory_space<hbm>>
      tpu.wait_dma2 semaphore(%run_scoped3A : memref<!tpu.dma_semaphore, #tpu.memory_space<semaphore_mem>>) src(%arg13 : memref<128x128xf32, #tpu.memory_space<vmem>>) dst(%dma_wait3A_118 : memref<128x128xf32, #tpu.memory_space<hbm>>)
      tpu.yield
    }) : () -> ()
    %add3A_99 = arith.constant 512 : i32
    %add3A_100 = arith.addi %mul3A_2, %add3A_99 : i32
    %dma_wait3A_101 = arith.constant 512 : i32
    %dma_wait3A_102 = tpu.memref_slice %arg8[%dma_wait3A_101] : memref<640xi32, #tpu.memory_space<vmem>> -> memref<128xi32, #tpu.memory_space<vmem>>
    %dma_wait3A_103 = arith.constant 0 : i32
    %dma_wait3A_104 = arith.constant 0 : i32
    %dma_wait3A_105 = tpu.memref_slice %arg4[%dma_wait3A_103, %dma_wait3A_104] : memref<1000x128xf32, #tpu.memory_space<hbm>> -> memref<1000x128xf32, #tpu.memory_space<hbm>>
    tpu.wait_indirect_dma semaphore(%arg14 : memref<!tpu.dma_semaphore, #tpu.memory_space<semaphore_mem>>) src(%dma_wait3A_105 : memref<1000x128xf32, #tpu.memory_space<hbm>>) dst(%arg10 : memref<128x128xf32, #tpu.memory_space<vmem>>)
    "tpu.region"() ({
      %run_scoped3A = tpu.sem_alloc : memref<!tpu.dma_semaphore, #tpu.memory_space<semaphore_mem>>
      %dma_start3A_111 = arith.constant 0 : i32
      %dma_start3A_112 = tpu.memref_slice %arg6[%add3A_100, %dma_start3A_111] : memref<20480x128xf32, #tpu.memory_space<hbm>> -> memref<128x128xf32, #tpu.memory_space<hbm>>
      %dma_start3A_113 = arith.constant 0 : i32
      %dma_start3A_114 = tpu.memref_slice %arg6[%add3A_100, %dma_start3A_113] : memref<20480x128xf32, #tpu.memory_space<hbm>> -> memref<128x128xf32, #tpu.memory_space<hbm>>
      tpu.enqueue_dma source(%arg10 : memref<128x128xf32, #tpu.memory_space<vmem>>) target(%dma_start3A_114 : memref<128x128xf32, #tpu.memory_space<hbm>>) target_semaphore(%run_scoped3A : memref<!tpu.dma_semaphore, #tpu.memory_space<semaphore_mem>>)
      %dma_wait3A_115 = arith.constant 0 : i32
      %dma_wait3A_116 = tpu.memref_slice %arg6[%add3A_100, %dma_wait3A_115] : memref<20480x128xf32, #tpu.memory_space<hbm>> -> memref<128x128xf32, #tpu.memory_space<hbm>>
      %dma_wait3A_117 = arith.constant 0 : i32
      %dma_wait3A_118 = tpu.memref_slice %arg6[%add3A_100, %dma_wait3A_117] : memref<20480x128xf32, #tpu.memory_space<hbm>> -> memref<128x128xf32, #tpu.memory_space<hbm>>
      tpu.wait_dma2 semaphore(%run_scoped3A : memref<!tpu.dma_semaphore, #tpu.memory_space<semaphore_mem>>) src(%arg10 : memref<128x128xf32, #tpu.memory_space<vmem>>) dst(%dma_wait3A_118 : memref<128x128xf32, #tpu.memory_space<hbm>>)
      tpu.yield
    }) : () -> ()
    %dma_wait3A_106 = arith.constant 512 : i32
    %dma_wait3A_107 = tpu.memref_slice %arg9[%dma_wait3A_106] : memref<640xi32, #tpu.memory_space<vmem>> -> memref<128xi32, #tpu.memory_space<vmem>>
    %dma_wait3A_108 = arith.constant 0 : i32
    %dma_wait3A_109 = arith.constant 0 : i32
    %dma_wait3A_110 = tpu.memref_slice %arg5[%dma_wait3A_108, %dma_wait3A_109] : memref<1000x128xf32, #tpu.memory_space<hbm>> -> memref<1000x128xf32, #tpu.memory_space<hbm>>
    tpu.wait_indirect_dma semaphore(%arg15 : memref<!tpu.dma_semaphore, #tpu.memory_space<semaphore_mem>>) src(%dma_wait3A_110 : memref<1000x128xf32, #tpu.memory_space<hbm>>) dst(%arg12 : memref<128x128xf32, #tpu.memory_space<vmem>>)
    "tpu.region"() ({
      %run_scoped3A = tpu.sem_alloc : memref<!tpu.dma_semaphore, #tpu.memory_space<semaphore_mem>>
      %dma_start3A_111 = arith.constant 0 : i32
      %dma_start3A_112 = tpu.memref_slice %arg7[%add3A_100, %dma_start3A_111] : memref<20480x128xf32, #tpu.memory_space<hbm>> -> memref<128x128xf32, #tpu.memory_space<hbm>>
      %dma_start3A_113 = arith.constant 0 : i32
      %dma_start3A_114 = tpu.memref_slice %arg7[%add3A_100, %dma_start3A_113] : memref<20480x128xf32, #tpu.memory_space<hbm>> -> memref<128x128xf32, #tpu.memory_space<hbm>>
      tpu.enqueue_dma source(%arg12 : memref<128x128xf32, #tpu.memory_space<vmem>>) target(%dma_start3A_114 : memref<128x128xf32, #tpu.memory_space<hbm>>) target_semaphore(%run_scoped3A : memref<!tpu.dma_semaphore, #tpu.memory_space<semaphore_mem>>)
      %dma_wait3A_115 = arith.constant 0 : i32
      %dma_wait3A_116 = tpu.memref_slice %arg7[%add3A_100, %dma_wait3A_115] : memref<20480x128xf32, #tpu.memory_space<hbm>> -> memref<128x128xf32, #tpu.memory_space<hbm>>
      %dma_wait3A_117 = arith.constant 0 : i32
      %dma_wait3A_118 = tpu.memref_slice %arg7[%add3A_100, %dma_wait3A_117] : memref<20480x128xf32, #tpu.memory_space<hbm>> -> memref<128x128xf32, #tpu.memory_space<hbm>>
      tpu.wait_dma2 semaphore(%run_scoped3A : memref<!tpu.dma_semaphore, #tpu.memory_space<semaphore_mem>>) src(%arg12 : memref<128x128xf32, #tpu.memory_space<vmem>>) dst(%dma_wait3A_118 : memref<128x128xf32, #tpu.memory_space<hbm>>)
      tpu.yield
    }) : () -> ()
    return
  }
}

module attributes {stable_mosaic.version = 14 : i64} {
  func.func @_fused_body(%arg0: i32, %arg1: memref<2560x128xf32, #tpu.memory_space<vmem>>, %arg2: memref<2560x128xf32, #tpu.memory_space<vmem>>, %arg3: memref<1000x64xf32, #tpu.memory_space<vmem>>, %arg4: memref<1000x1xf32, #tpu.memory_space<vmem>>, %arg5: memref<20x1000x128xf32, #tpu.memory_space<vmem>>, %arg6: memref<1x1xf32, #tpu.memory_space<smem>>) attributes {dimension_semantics = [#tpu.dimension_semantics<arbitrary>], iteration_bounds = array<i64: 8>, scalar_prefetch = 0 : i64, scratch_operands = 0 : i64, tpu.core_type = #tpu.core_type<tc>, window_params = [{transform_indices = @transform_0, window_bounds = array<i64: 2560, 128>}, {transform_indices = @transform_1, window_bounds = array<i64: 2560, 128>}, {pipeline_mode = #tpu.pipeline_mode<synchronous>, transform_indices = @transform_2, window_bounds = array<i64: 1000, 64>}, {pipeline_mode = #tpu.pipeline_mode<synchronous>, transform_indices = @transform_3, window_bounds = array<i64: 1000, 1>}, {transform_indices = @transform_4, window_bounds = array<i64: 20, 1000, 128>}, {transform_indices = @transform_5, window_bounds = array<i64: 1, 1>}]} {
    %get3A = arith.constant 0 : index
    %get3A_0 = arith.constant 0 : index
    %get3A_1 = vector.load %arg3[%get3A, %get3A_0] : memref<1000x64xf32, #tpu.memory_space<vmem>>, vector<1000x64xf32>
    %get3A_2 = arith.constant 0 : index
    %get3A_3 = arith.constant 0 : index
    %get3A_4 = vector.load %arg4[%get3A_2, %get3A_3] : memref<1000x1xf32, #tpu.memory_space<vmem>>, vector<1000x1xf32>
    %get3A_5 = arith.constant 0 : index
    %get3A_6 = arith.constant 0 : index
    %get3A_7 = vector.load %arg1[%get3A_5, %get3A_6] : memref<2560x128xf32, #tpu.memory_space<vmem>>, vector<2560x128xf32>
    %slice3A = vector.extract_strided_slice %get3A_7 {offsets = [0, 0], sizes = [2560, 64], strides = [1, 1]} : vector<2560x128xf32> to vector<2560x64xf32>
    %get3A_8 = arith.constant 0 : index
    %get3A_9 = arith.constant 0 : index
    %get3A_10 = vector.load %arg2[%get3A_8, %get3A_9] : memref<2560x128xf32, #tpu.memory_space<vmem>>, vector<2560x128xf32>
    %slice3A_11 = vector.extract_strided_slice %get3A_10 {offsets = [0, 0], sizes = [2560, 64], strides = [1, 1]} : vector<2560x128xf32> to vector<2560x64xf32>
    %get3A_12 = arith.constant 0 : index
    %get3A_13 = arith.constant 0 : index
    %get3A_14 = vector.load %arg2[%get3A_12, %get3A_13] : memref<2560x128xf32, #tpu.memory_space<vmem>>, vector<2560x128xf32>
    %slice3A_15 = vector.extract_strided_slice %get3A_14 {offsets = [0, 64], sizes = [2560, 1], strides = [1, 1]} : vector<2560x128xf32> to vector<2560x1xf32>
    %slice3A_16 = vector.extract_strided_slice %slice3A {offsets = [0, 0], sizes = [128, 64], strides = [1, 1]} : vector<2560x64xf32> to vector<128x64xf32>
    %dot_general3A = arith.constant dense<0.000000e+00> : vector<1000x128xf32>
    %dot_general3A_17 = tpu.matmul %get3A_1, %slice3A_16, %dot_general3A {dimension_numbers = #tpu.dot_dimension_numbers<[1], [1], [0], [0], [0, 0, 1, 0], [], []>, transpose_lhs_hint = false} : vector<1000x64xf32>, vector<128x64xf32>, vector<1000x128xf32> -> vector<1000x128xf32>
    %add3A = vector.broadcast %get3A_4 : vector<1000x1xf32> to vector<1000x128xf32>
    %add3A_18 = arith.addf %dot_general3A_17, %add3A : vector<1000x128xf32>
    %swap3A = arith.constant 0 : index
    %swap3A_19 = arith.constant 0 : index
    %swap3A_20 = arith.constant 0 : index
    %swap3A_21 = vector.load %arg5[%swap3A, %swap3A_19, %swap3A_20] : memref<20x1000x128xf32, #tpu.memory_space<vmem>>, vector<1x1000x128xf32>
    %swap3A_22 = vector.shape_cast %swap3A_21 : vector<1x1000x128xf32> to vector<1000x128xf32>
    %swap3A_23 = vector.shape_cast %add3A_18 : vector<1000x128xf32> to vector<1x1000x128xf32>
    tpu.vector_store %arg5[%swap3A, %swap3A_19, %swap3A_20], %swap3A_23 {strides = array<i32>} : memref<20x1000x128xf32, #tpu.memory_space<vmem>>, vector<1x1000x128xf32>,
    %exp3A = math.exp %add3A_18 : vector<1000x128xf32>
    %reduce_sum3A = arith.constant dense<0.000000e+00> : vector<128xf32>
    %reduce_sum3A_24 = vector.multi_reduction <add>, %exp3A, %reduce_sum3A [0] : vector<1000x128xf32> to vector<128xf32>
    %broadcast_in_dim3A = vector.shape_cast %reduce_sum3A_24 : vector<128xf32> to vector<1x128xf32>
    %log3A = math.log %broadcast_in_dim3A : vector<1x128xf32>
    %reduce_sum3A_25 = vector.shape_cast %log3A : vector<1x128xf32> to vector<1x1x128xf32>
    %reduce_sum3A_26 = arith.constant dense<0.000000e+00> : vector<1xf32>
    %reduce_sum3A_27 = vector.multi_reduction <add>, %reduce_sum3A_25, %reduce_sum3A_26 [1, 2] : vector<1x1x128xf32> to vector<1xf32>
    %reduce_sum3A_28 = vector.shape_cast %reduce_sum3A_27 : vector<1xf32> to vector<1x1x1xf32>
    %reduce_sum3A_29 = vector.extract %reduce_sum3A_28[0, 0, 0] : f32 from vector<1x1x1xf32>
    %add3A_30 = arith.constant 0.000000e+00 : f32
    %add3A_31 = arith.addf %add3A_30, %reduce_sum3A_29 : f32
    %slice3A_32 = vector.extract_strided_slice %slice3A {offsets = [128, 0], sizes = [128, 64], strides = [1, 1]} : vector<2560x64xf32> to vector<128x64xf32>
    %dot_general3A_33 = arith.constant dense<0.000000e+00> : vector<1000x128xf32>
    %dot_general3A_34 = tpu.matmul %get3A_1, %slice3A_32, %dot_general3A_33 {dimension_numbers = #tpu.dot_dimension_numbers<[1], [1], [0], [0], [0, 0, 1, 0], [], []>, transpose_lhs_hint = false} : vector<1000x64xf32>, vector<128x64xf32>, vector<1000x128xf32> -> vector<1000x128xf32>
    %add3A_35 = vector.broadcast %get3A_4 : vector<1000x1xf32> to vector<1000x128xf32>
    %add3A_36 = arith.addf %dot_general3A_34, %add3A_35 : vector<1000x128xf32>
    %swap3A_37 = arith.constant 1 : index
    %swap3A_38 = arith.constant 0 : index
    %swap3A_39 = arith.constant 0 : index
    %swap3A_40 = vector.load %arg5[%swap3A_37, %swap3A_38, %swap3A_39] : memref<20x1000x128xf32, #tpu.memory_space<vmem>>, vector<1x1000x128xf32>
    %swap3A_41 = vector.shape_cast %swap3A_40 : vector<1x1000x128xf32> to vector<1000x128xf32>
    %swap3A_42 = vector.shape_cast %add3A_36 : vector<1000x128xf32> to vector<1x1000x128xf32>
    tpu.vector_store %arg5[%swap3A_37, %swap3A_38, %swap3A_39], %swap3A_42 {strides = array<i32>} : memref<20x1000x128xf32, #tpu.memory_space<vmem>>, vector<1x1000x128xf32>,
    %exp3A_43 = math.exp %add3A_36 : vector<1000x128xf32>
    %reduce_sum3A_44 = arith.constant dense<0.000000e+00> : vector<128xf32>
    %reduce_sum3A_45 = vector.multi_reduction <add>, %exp3A_43, %reduce_sum3A_44 [0] : vector<1000x128xf32> to vector<128xf32>
    %broadcast_in_dim3A_46 = vector.shape_cast %reduce_sum3A_45 : vector<128xf32> to vector<1x128xf32>
    %log3A_47 = math.log %broadcast_in_dim3A_46 : vector<1x128xf32>
    %reduce_sum3A_48 = vector.shape_cast %log3A_47 : vector<1x128xf32> to vector<1x1x128xf32>
    %reduce_sum3A_49 = arith.constant dense<0.000000e+00> : vector<1xf32>
    %reduce_sum3A_50 = vector.multi_reduction <add>, %reduce_sum3A_48, %reduce_sum3A_49 [1, 2] : vector<1x1x128xf32> to vector<1xf32>
    %reduce_sum3A_51 = vector.shape_cast %reduce_sum3A_50 : vector<1xf32> to vector<1x1x1xf32>
    %reduce_sum3A_52 = vector.extract %reduce_sum3A_51[0, 0, 0] : f32 from vector<1x1x1xf32>
    %add3A_53 = arith.addf %add3A_31, %reduce_sum3A_52 : f32
    %slice3A_54 = vector.extract_strided_slice %slice3A {offsets = [256, 0], sizes = [128, 64], strides = [1, 1]} : vector<2560x64xf32> to vector<128x64xf32>
    %dot_general3A_55 = arith.constant dense<0.000000e+00> : vector<1000x128xf32>
    %dot_general3A_56 = tpu.matmul %get3A_1, %slice3A_54, %dot_general3A_55 {dimension_numbers = #tpu.dot_dimension_numbers<[1], [1], [0], [0], [0, 0, 1, 0], [], []>, transpose_lhs_hint = false} : vector<1000x64xf32>, vector<128x64xf32>, vector<1000x128xf32> -> vector<1000x128xf32>
    %add3A_57 = vector.broadcast %get3A_4 : vector<1000x1xf32> to vector<1000x128xf32>
    %add3A_58 = arith.addf %dot_general3A_56, %add3A_57 : vector<1000x128xf32>
    %swap3A_59 = arith.constant 2 : index
    %swap3A_60 = arith.constant 0 : index
    %swap3A_61 = arith.constant 0 : index
    %swap3A_62 = vector.load %arg5[%swap3A_59, %swap3A_60, %swap3A_61] : memref<20x1000x128xf32, #tpu.memory_space<vmem>>, vector<1x1000x128xf32>
    %swap3A_63 = vector.shape_cast %swap3A_62 : vector<1x1000x128xf32> to vector<1000x128xf32>
    %swap3A_64 = vector.shape_cast %add3A_58 : vector<1000x128xf32> to vector<1x1000x128xf32>
    tpu.vector_store %arg5[%swap3A_59, %swap3A_60, %swap3A_61], %swap3A_64 {strides = array<i32>} : memref<20x1000x128xf32, #tpu.memory_space<vmem>>, vector<1x1000x128xf32>,
    %exp3A_65 = math.exp %add3A_58 : vector<1000x128xf32>
    %reduce_sum3A_66 = arith.constant dense<0.000000e+00> : vector<128xf32>
    %reduce_sum3A_67 = vector.multi_reduction <add>, %exp3A_65, %reduce_sum3A_66 [0] : vector<1000x128xf32> to vector<128xf32>
    %broadcast_in_dim3A_68 = vector.shape_cast %reduce_sum3A_67 : vector<128xf32> to vector<1x128xf32>
    %log3A_69 = math.log %broadcast_in_dim3A_68 : vector<1x128xf32>
    %reduce_sum3A_70 = vector.shape_cast %log3A_69 : vector<1x128xf32> to vector<1x1x128xf32>
    %reduce_sum3A_71 = arith.constant dense<0.000000e+00> : vector<1xf32>
    %reduce_sum3A_72 = vector.multi_reduction <add>, %reduce_sum3A_70, %reduce_sum3A_71 [1, 2] : vector<1x1x128xf32> to vector<1xf32>
    %reduce_sum3A_73 = vector.shape_cast %reduce_sum3A_72 : vector<1xf32> to vector<1x1x1xf32>
    %reduce_sum3A_74 = vector.extract %reduce_sum3A_73[0, 0, 0] : f32 from vector<1x1x1xf32>
    %add3A_75 = arith.addf %add3A_53, %reduce_sum3A_74 : f32
    %slice3A_76 = vector.extract_strided_slice %slice3A {offsets = [384, 0], sizes = [128, 64], strides = [1, 1]} : vector<2560x64xf32> to vector<128x64xf32>
    %dot_general3A_77 = arith.constant dense<0.000000e+00> : vector<1000x128xf32>
    %dot_general3A_78 = tpu.matmul %get3A_1, %slice3A_76, %dot_general3A_77 {dimension_numbers = #tpu.dot_dimension_numbers<[1], [1], [0], [0], [0, 0, 1, 0], [], []>, transpose_lhs_hint = false} : vector<1000x64xf32>, vector<128x64xf32>, vector<1000x128xf32> -> vector<1000x128xf32>
    %add3A_79 = vector.broadcast %get3A_4 : vector<1000x1xf32> to vector<1000x128xf32>
    %add3A_80 = arith.addf %dot_general3A_78, %add3A_79 : vector<1000x128xf32>
    %swap3A_81 = arith.constant 3 : index
    %swap3A_82 = arith.constant 0 : index
    %swap3A_83 = arith.constant 0 : index
    %swap3A_84 = vector.load %arg5[%swap3A_81, %swap3A_82, %swap3A_83] : memref<20x1000x128xf32, #tpu.memory_space<vmem>>, vector<1x1000x128xf32>
    %swap3A_85 = vector.shape_cast %swap3A_84 : vector<1x1000x128xf32> to vector<1000x128xf32>
    %swap3A_86 = vector.shape_cast %add3A_80 : vector<1000x128xf32> to vector<1x1000x128xf32>
    tpu.vector_store %arg5[%swap3A_81, %swap3A_82, %swap3A_83], %swap3A_86 {strides = array<i32>} : memref<20x1000x128xf32, #tpu.memory_space<vmem>>, vector<1x1000x128xf32>,
    %exp3A_87 = math.exp %add3A_80 : vector<1000x128xf32>
    %reduce_sum3A_88 = arith.constant dense<0.000000e+00> : vector<128xf32>
    %reduce_sum3A_89 = vector.multi_reduction <add>, %exp3A_87, %reduce_sum3A_88 [0] : vector<1000x128xf32> to vector<128xf32>
    %broadcast_in_dim3A_90 = vector.shape_cast %reduce_sum3A_89 : vector<128xf32> to vector<1x128xf32>
    %log3A_91 = math.log %broadcast_in_dim3A_90 : vector<1x128xf32>
    %reduce_sum3A_92 = vector.shape_cast %log3A_91 : vector<1x128xf32> to vector<1x1x128xf32>
    %reduce_sum3A_93 = arith.constant dense<0.000000e+00> : vector<1xf32>
    %reduce_sum3A_94 = vector.multi_reduction <add>, %reduce_sum3A_92, %reduce_sum3A_93 [1, 2] : vector<1x1x128xf32> to vector<1xf32>
    %reduce_sum3A_95 = vector.shape_cast %reduce_sum3A_94 : vector<1xf32> to vector<1x1x1xf32>
    %reduce_sum3A_96 = vector.extract %reduce_sum3A_95[0, 0, 0] : f32 from vector<1x1x1xf32>
    %add3A_97 = arith.addf %add3A_75, %reduce_sum3A_96 : f32
    %slice3A_98 = vector.extract_strided_slice %slice3A {offsets = [512, 0], sizes = [128, 64], strides = [1, 1]} : vector<2560x64xf32> to vector<128x64xf32>
    %dot_general3A_99 = arith.constant dense<0.000000e+00> : vector<1000x128xf32>
    %dot_general3A_100 = tpu.matmul %get3A_1, %slice3A_98, %dot_general3A_99 {dimension_numbers = #tpu.dot_dimension_numbers<[1], [1], [0], [0], [0, 0, 1, 0], [], []>, transpose_lhs_hint = false} : vector<1000x64xf32>, vector<128x64xf32>, vector<1000x128xf32> -> vector<1000x128xf32>
    %add3A_101 = vector.broadcast %get3A_4 : vector<1000x1xf32> to vector<1000x128xf32>
    %add3A_102 = arith.addf %dot_general3A_100, %add3A_101 : vector<1000x128xf32>
    %swap3A_103 = arith.constant 4 : index
    %swap3A_104 = arith.constant 0 : index
    %swap3A_105 = arith.constant 0 : index
    %swap3A_106 = vector.load %arg5[%swap3A_103, %swap3A_104, %swap3A_105] : memref<20x1000x128xf32, #tpu.memory_space<vmem>>, vector<1x1000x128xf32>
    %swap3A_107 = vector.shape_cast %swap3A_106 : vector<1x1000x128xf32> to vector<1000x128xf32>
    %swap3A_108 = vector.shape_cast %add3A_102 : vector<1000x128xf32> to vector<1x1000x128xf32>
    tpu.vector_store %arg5[%swap3A_103, %swap3A_104, %swap3A_105], %swap3A_108 {strides = array<i32>} : memref<20x1000x128xf32, #tpu.memory_space<vmem>>, vector<1x1000x128xf32>,
    %exp3A_109 = math.exp %add3A_102 : vector<1000x128xf32>
    %reduce_sum3A_110 = arith.constant dense<0.000000e+00> : vector<128xf32>
    %reduce_sum3A_111 = vector.multi_reduction <add>, %exp3A_109, %reduce_sum3A_110 [0] : vector<1000x128xf32> to vector<128xf32>
    %broadcast_in_dim3A_112 = vector.shape_cast %reduce_sum3A_111 : vector<128xf32> to vector<1x128xf32>
    %log3A_113 = math.log %broadcast_in_dim3A_112 : vector<1x128xf32>
    %reduce_sum3A_114 = vector.shape_cast %log3A_113 : vector<1x128xf32> to vector<1x1x128xf32>
    %reduce_sum3A_115 = arith.constant dense<0.000000e+00> : vector<1xf32>
    %reduce_sum3A_116 = vector.multi_reduction <add>, %reduce_sum3A_114, %reduce_sum3A_115 [1, 2] : vector<1x1x128xf32> to vector<1xf32>
    %reduce_sum3A_117 = vector.shape_cast %reduce_sum3A_116 : vector<1xf32> to vector<1x1x1xf32>
    %reduce_sum3A_118 = vector.extract %reduce_sum3A_117[0, 0, 0] : f32 from vector<1x1x1xf32>
    %add3A_119 = arith.addf %add3A_97, %reduce_sum3A_118 : f32
    %slice3A_120 = vector.extract_strided_slice %slice3A {offsets = [640, 0], sizes = [128, 64], strides = [1, 1]} : vector<2560x64xf32> to vector<128x64xf32>
    %dot_general3A_121 = arith.constant dense<0.000000e+00> : vector<1000x128xf32>
    %dot_general3A_122 = tpu.matmul %get3A_1, %slice3A_120, %dot_general3A_121 {dimension_numbers = #tpu.dot_dimension_numbers<[1], [1], [0], [0], [0, 0, 1, 0], [], []>, transpose_lhs_hint = false} : vector<1000x64xf32>, vector<128x64xf32>, vector<1000x128xf32> -> vector<1000x128xf32>
    %add3A_123 = vector.broadcast %get3A_4 : vector<1000x1xf32> to vector<1000x128xf32>
    %add3A_124 = arith.addf %dot_general3A_122, %add3A_123 : vector<1000x128xf32>
    %swap3A_125 = arith.constant 5 : index
    %swap3A_126 = arith.constant 0 : index
    %swap3A_127 = arith.constant 0 : index
    %swap3A_128 = vector.load %arg5[%swap3A_125, %swap3A_126, %swap3A_127] : memref<20x1000x128xf32, #tpu.memory_space<vmem>>, vector<1x1000x128xf32>
    %swap3A_129 = vector.shape_cast %swap3A_128 : vector<1x1000x128xf32> to vector<1000x128xf32>
    %swap3A_130 = vector.shape_cast %add3A_124 : vector<1000x128xf32> to vector<1x1000x128xf32>
    tpu.vector_store %arg5[%swap3A_125, %swap3A_126, %swap3A_127], %swap3A_130 {strides = array<i32>} : memref<20x1000x128xf32, #tpu.memory_space<vmem>>, vector<1x1000x128xf32>,
    %exp3A_131 = math.exp %add3A_124 : vector<1000x128xf32>
    %reduce_sum3A_132 = arith.constant dense<0.000000e+00> : vector<128xf32>
    %reduce_sum3A_133 = vector.multi_reduction <add>, %exp3A_131, %reduce_sum3A_132 [0] : vector<1000x128xf32> to vector<128xf32>
    %broadcast_in_dim3A_134 = vector.shape_cast %reduce_sum3A_133 : vector<128xf32> to vector<1x128xf32>
    %log3A_135 = math.log %broadcast_in_dim3A_134 : vector<1x128xf32>
    %reduce_sum3A_136 = vector.shape_cast %log3A_135 : vector<1x128xf32> to vector<1x1x128xf32>
    %reduce_sum3A_137 = arith.constant dense<0.000000e+00> : vector<1xf32>
    %reduce_sum3A_138 = vector.multi_reduction <add>, %reduce_sum3A_136, %reduce_sum3A_137 [1, 2] : vector<1x1x128xf32> to vector<1xf32>
    %reduce_sum3A_139 = vector.shape_cast %reduce_sum3A_138 : vector<1xf32> to vector<1x1x1xf32>
    %reduce_sum3A_140 = vector.extract %reduce_sum3A_139[0, 0, 0] : f32 from vector<1x1x1xf32>
    %add3A_141 = arith.addf %add3A_119, %reduce_sum3A_140 : f32
    %slice3A_142 = vector.extract_strided_slice %slice3A {offsets = [768, 0], sizes = [128, 64], strides = [1, 1]} : vector<2560x64xf32> to vector<128x64xf32>
    %dot_general3A_143 = arith.constant dense<0.000000e+00> : vector<1000x128xf32>
    %dot_general3A_144 = tpu.matmul %get3A_1, %slice3A_142, %dot_general3A_143 {dimension_numbers = #tpu.dot_dimension_numbers<[1], [1], [0], [0], [0, 0, 1, 0], [], []>, transpose_lhs_hint = false} : vector<1000x64xf32>, vector<128x64xf32>, vector<1000x128xf32> -> vector<1000x128xf32>
    %add3A_145 = vector.broadcast %get3A_4 : vector<1000x1xf32> to vector<1000x128xf32>
    %add3A_146 = arith.addf %dot_general3A_144, %add3A_145 : vector<1000x128xf32>
    %swap3A_147 = arith.constant 6 : index
    %swap3A_148 = arith.constant 0 : index
    %swap3A_149 = arith.constant 0 : index
    %swap3A_150 = vector.load %arg5[%swap3A_147, %swap3A_148, %swap3A_149] : memref<20x1000x128xf32, #tpu.memory_space<vmem>>, vector<1x1000x128xf32>
    %swap3A_151 = vector.shape_cast %swap3A_150 : vector<1x1000x128xf32> to vector<1000x128xf32>
    %swap3A_152 = vector.shape_cast %add3A_146 : vector<1000x128xf32> to vector<1x1000x128xf32>
    tpu.vector_store %arg5[%swap3A_147, %swap3A_148, %swap3A_149], %swap3A_152 {strides = array<i32>} : memref<20x1000x128xf32, #tpu.memory_space<vmem>>, vector<1x1000x128xf32>,
    %exp3A_153 = math.exp %add3A_146 : vector<1000x128xf32>
    %reduce_sum3A_154 = arith.constant dense<0.000000e+00> : vector<128xf32>
    %reduce_sum3A_155 = vector.multi_reduction <add>, %exp3A_153, %reduce_sum3A_154 [0] : vector<1000x128xf32> to vector<128xf32>
    %broadcast_in_dim3A_156 = vector.shape_cast %reduce_sum3A_155 : vector<128xf32> to vector<1x128xf32>
    %log3A_157 = math.log %broadcast_in_dim3A_156 : vector<1x128xf32>
    %reduce_sum3A_158 = vector.shape_cast %log3A_157 : vector<1x128xf32> to vector<1x1x128xf32>
    %reduce_sum3A_159 = arith.constant dense<0.000000e+00> : vector<1xf32>
    %reduce_sum3A_160 = vector.multi_reduction <add>, %reduce_sum3A_158, %reduce_sum3A_159 [1, 2] : vector<1x1x128xf32> to vector<1xf32>
    %reduce_sum3A_161 = vector.shape_cast %reduce_sum3A_160 : vector<1xf32> to vector<1x1x1xf32>
    %reduce_sum3A_162 = vector.extract %reduce_sum3A_161[0, 0, 0] : f32 from vector<1x1x1xf32>
    %add3A_163 = arith.addf %add3A_141, %reduce_sum3A_162 : f32
    %slice3A_164 = vector.extract_strided_slice %slice3A {offsets = [896, 0], sizes = [128, 64], strides = [1, 1]} : vector<2560x64xf32> to vector<128x64xf32>
    %dot_general3A_165 = arith.constant dense<0.000000e+00> : vector<1000x128xf32>
    %dot_general3A_166 = tpu.matmul %get3A_1, %slice3A_164, %dot_general3A_165 {dimension_numbers = #tpu.dot_dimension_numbers<[1], [1], [0], [0], [0, 0, 1, 0], [], []>, transpose_lhs_hint = false} : vector<1000x64xf32>, vector<128x64xf32>, vector<1000x128xf32> -> vector<1000x128xf32>
    %add3A_167 = vector.broadcast %get3A_4 : vector<1000x1xf32> to vector<1000x128xf32>
    %add3A_168 = arith.addf %dot_general3A_166, %add3A_167 : vector<1000x128xf32>
    %swap3A_169 = arith.constant 7 : index
    %swap3A_170 = arith.constant 0 : index
    %swap3A_171 = arith.constant 0 : index
    %swap3A_172 = vector.load %arg5[%swap3A_169, %swap3A_170, %swap3A_171] : memref<20x1000x128xf32, #tpu.memory_space<vmem>>, vector<1x1000x128xf32>
    %swap3A_173 = vector.shape_cast %swap3A_172 : vector<1x1000x128xf32> to vector<1000x128xf32>
    %swap3A_174 = vector.shape_cast %add3A_168 : vector<1000x128xf32> to vector<1x1000x128xf32>
    tpu.vector_store %arg5[%swap3A_169, %swap3A_170, %swap3A_171], %swap3A_174 {strides = array<i32>} : memref<20x1000x128xf32, #tpu.memory_space<vmem>>, vector<1x1000x128xf32>,
    %exp3A_175 = math.exp %add3A_168 : vector<1000x128xf32>
    %reduce_sum3A_176 = arith.constant dense<0.000000e+00> : vector<128xf32>
    %reduce_sum3A_177 = vector.multi_reduction <add>, %exp3A_175, %reduce_sum3A_176 [0] : vector<1000x128xf32> to vector<128xf32>
    %broadcast_in_dim3A_178 = vector.shape_cast %reduce_sum3A_177 : vector<128xf32> to vector<1x128xf32>
    %log3A_179 = math.log %broadcast_in_dim3A_178 : vector<1x128xf32>
    %reduce_sum3A_180 = vector.shape_cast %log3A_179 : vector<1x128xf32> to vector<1x1x128xf32>
    %reduce_sum3A_181 = arith.constant dense<0.000000e+00> : vector<1xf32>
    %reduce_sum3A_182 = vector.multi_reduction <add>, %reduce_sum3A_180, %reduce_sum3A_181 [1, 2] : vector<1x1x128xf32> to vector<1xf32>
    %reduce_sum3A_183 = vector.shape_cast %reduce_sum3A_182 : vector<1xf32> to vector<1x1x1xf32>
    %reduce_sum3A_184 = vector.extract %reduce_sum3A_183[0, 0, 0] : f32 from vector<1x1x1xf32>
    %add3A_185 = arith.addf %add3A_163, %reduce_sum3A_184 : f32
    %slice3A_186 = vector.extract_strided_slice %slice3A {offsets = [1024, 0], sizes = [128, 64], strides = [1, 1]} : vector<2560x64xf32> to vector<128x64xf32>
    %dot_general3A_187 = arith.constant dense<0.000000e+00> : vector<1000x128xf32>
    %dot_general3A_188 = tpu.matmul %get3A_1, %slice3A_186, %dot_general3A_187 {dimension_numbers = #tpu.dot_dimension_numbers<[1], [1], [0], [0], [0, 0, 1, 0], [], []>, transpose_lhs_hint = false} : vector<1000x64xf32>, vector<128x64xf32>, vector<1000x128xf32> -> vector<1000x128xf32>
    %add3A_189 = vector.broadcast %get3A_4 : vector<1000x1xf32> to vector<1000x128xf32>
    %add3A_190 = arith.addf %dot_general3A_188, %add3A_189 : vector<1000x128xf32>
    %swap3A_191 = arith.constant 8 : index
    %swap3A_192 = arith.constant 0 : index
    %swap3A_193 = arith.constant 0 : index
    %swap3A_194 = vector.load %arg5[%swap3A_191, %swap3A_192, %swap3A_193] : memref<20x1000x128xf32, #tpu.memory_space<vmem>>, vector<1x1000x128xf32>
    %swap3A_195 = vector.shape_cast %swap3A_194 : vector<1x1000x128xf32> to vector<1000x128xf32>
    %swap3A_196 = vector.shape_cast %add3A_190 : vector<1000x128xf32> to vector<1x1000x128xf32>
    tpu.vector_store %arg5[%swap3A_191, %swap3A_192, %swap3A_193], %swap3A_196 {strides = array<i32>} : memref<20x1000x128xf32, #tpu.memory_space<vmem>>, vector<1x1000x128xf32>,
    %exp3A_197 = math.exp %add3A_190 : vector<1000x128xf32>
    %reduce_sum3A_198 = arith.constant dense<0.000000e+00> : vector<128xf32>
    %reduce_sum3A_199 = vector.multi_reduction <add>, %exp3A_197, %reduce_sum3A_198 [0] : vector<1000x128xf32> to vector<128xf32>
    %broadcast_in_dim3A_200 = vector.shape_cast %reduce_sum3A_199 : vector<128xf32> to vector<1x128xf32>
    %log3A_201 = math.log %broadcast_in_dim3A_200 : vector<1x128xf32>
    %reduce_sum3A_202 = vector.shape_cast %log3A_201 : vector<1x128xf32> to vector<1x1x128xf32>
    %reduce_sum3A_203 = arith.constant dense<0.000000e+00> : vector<1xf32>
    %reduce_sum3A_204 = vector.multi_reduction <add>, %reduce_sum3A_202, %reduce_sum3A_203 [1, 2] : vector<1x1x128xf32> to vector<1xf32>
    %reduce_sum3A_205 = vector.shape_cast %reduce_sum3A_204 : vector<1xf32> to vector<1x1x1xf32>
    %reduce_sum3A_206 = vector.extract %reduce_sum3A_205[0, 0, 0] : f32 from vector<1x1x1xf32>
    %add3A_207 = arith.addf %add3A_185, %reduce_sum3A_206 : f32
    %slice3A_208 = vector.extract_strided_slice %slice3A {offsets = [1152, 0], sizes = [128, 64], strides = [1, 1]} : vector<2560x64xf32> to vector<128x64xf32>
    %dot_general3A_209 = arith.constant dense<0.000000e+00> : vector<1000x128xf32>
    %dot_general3A_210 = tpu.matmul %get3A_1, %slice3A_208, %dot_general3A_209 {dimension_numbers = #tpu.dot_dimension_numbers<[1], [1], [0], [0], [0, 0, 1, 0], [], []>, transpose_lhs_hint = false} : vector<1000x64xf32>, vector<128x64xf32>, vector<1000x128xf32> -> vector<1000x128xf32>
    %add3A_211 = vector.broadcast %get3A_4 : vector<1000x1xf32> to vector<1000x128xf32>
    %add3A_212 = arith.addf %dot_general3A_210, %add3A_211 : vector<1000x128xf32>
    %swap3A_213 = arith.constant 9 : index
    %swap3A_214 = arith.constant 0 : index
    %swap3A_215 = arith.constant 0 : index
    %swap3A_216 = vector.load %arg5[%swap3A_213, %swap3A_214, %swap3A_215] : memref<20x1000x128xf32, #tpu.memory_space<vmem>>, vector<1x1000x128xf32>
    %swap3A_217 = vector.shape_cast %swap3A_216 : vector<1x1000x128xf32> to vector<1000x128xf32>
    %swap3A_218 = vector.shape_cast %add3A_212 : vector<1000x128xf32> to vector<1x1000x128xf32>
    tpu.vector_store %arg5[%swap3A_213, %swap3A_214, %swap3A_215], %swap3A_218 {strides = array<i32>} : memref<20x1000x128xf32, #tpu.memory_space<vmem>>, vector<1x1000x128xf32>,
    %exp3A_219 = math.exp %add3A_212 : vector<1000x128xf32>
    %reduce_sum3A_220 = arith.constant dense<0.000000e+00> : vector<128xf32>
    %reduce_sum3A_221 = vector.multi_reduction <add>, %exp3A_219, %reduce_sum3A_220 [0] : vector<1000x128xf32> to vector<128xf32>
    %broadcast_in_dim3A_222 = vector.shape_cast %reduce_sum3A_221 : vector<128xf32> to vector<1x128xf32>
    %log3A_223 = math.log %broadcast_in_dim3A_222 : vector<1x128xf32>
    %reduce_sum3A_224 = vector.shape_cast %log3A_223 : vector<1x128xf32> to vector<1x1x128xf32>
    %reduce_sum3A_225 = arith.constant dense<0.000000e+00> : vector<1xf32>
    %reduce_sum3A_226 = vector.multi_reduction <add>, %reduce_sum3A_224, %reduce_sum3A_225 [1, 2] : vector<1x1x128xf32> to vector<1xf32>
    %reduce_sum3A_227 = vector.shape_cast %reduce_sum3A_226 : vector<1xf32> to vector<1x1x1xf32>
    %reduce_sum3A_228 = vector.extract %reduce_sum3A_227[0, 0, 0] : f32 from vector<1x1x1xf32>
    %add3A_229 = arith.addf %add3A_207, %reduce_sum3A_228 : f32
    %slice3A_230 = vector.extract_strided_slice %slice3A {offsets = [1280, 0], sizes = [128, 64], strides = [1, 1]} : vector<2560x64xf32> to vector<128x64xf32>
    %dot_general3A_231 = arith.constant dense<0.000000e+00> : vector<1000x128xf32>
    %dot_general3A_232 = tpu.matmul %get3A_1, %slice3A_230, %dot_general3A_231 {dimension_numbers = #tpu.dot_dimension_numbers<[1], [1], [0], [0], [0, 0, 1, 0], [], []>, transpose_lhs_hint = false} : vector<1000x64xf32>, vector<128x64xf32>, vector<1000x128xf32> -> vector<1000x128xf32>
    %add3A_233 = vector.broadcast %get3A_4 : vector<1000x1xf32> to vector<1000x128xf32>
    %add3A_234 = arith.addf %dot_general3A_232, %add3A_233 : vector<1000x128xf32>
    %swap3A_235 = arith.constant 10 : index
    %swap3A_236 = arith.constant 0 : index
    %swap3A_237 = arith.constant 0 : index
    %swap3A_238 = vector.load %arg5[%swap3A_235, %swap3A_236, %swap3A_237] : memref<20x1000x128xf32, #tpu.memory_space<vmem>>, vector<1x1000x128xf32>
    %swap3A_239 = vector.shape_cast %swap3A_238 : vector<1x1000x128xf32> to vector<1000x128xf32>
    %swap3A_240 = vector.shape_cast %add3A_234 : vector<1000x128xf32> to vector<1x1000x128xf32>
    tpu.vector_store %arg5[%swap3A_235, %swap3A_236, %swap3A_237], %swap3A_240 {strides = array<i32>} : memref<20x1000x128xf32, #tpu.memory_space<vmem>>, vector<1x1000x128xf32>,
    %exp3A_241 = math.exp %add3A_234 : vector<1000x128xf32>
    %reduce_sum3A_242 = arith.constant dense<0.000000e+00> : vector<128xf32>
    %reduce_sum3A_243 = vector.multi_reduction <add>, %exp3A_241, %reduce_sum3A_242 [0] : vector<1000x128xf32> to vector<128xf32>
    %broadcast_in_dim3A_244 = vector.shape_cast %reduce_sum3A_243 : vector<128xf32> to vector<1x128xf32>
    %log3A_245 = math.log %broadcast_in_dim3A_244 : vector<1x128xf32>
    %reduce_sum3A_246 = vector.shape_cast %log3A_245 : vector<1x128xf32> to vector<1x1x128xf32>
    %reduce_sum3A_247 = arith.constant dense<0.000000e+00> : vector<1xf32>
    %reduce_sum3A_248 = vector.multi_reduction <add>, %reduce_sum3A_246, %reduce_sum3A_247 [1, 2] : vector<1x1x128xf32> to vector<1xf32>
    %reduce_sum3A_249 = vector.shape_cast %reduce_sum3A_248 : vector<1xf32> to vector<1x1x1xf32>
    %reduce_sum3A_250 = vector.extract %reduce_sum3A_249[0, 0, 0] : f32 from vector<1x1x1xf32>
    %add3A_251 = arith.addf %add3A_229, %reduce_sum3A_250 : f32
    %slice3A_252 = vector.extract_strided_slice %slice3A {offsets = [1408, 0], sizes = [128, 64], strides = [1, 1]} : vector<2560x64xf32> to vector<128x64xf32>
    %dot_general3A_253 = arith.constant dense<0.000000e+00> : vector<1000x128xf32>
    %dot_general3A_254 = tpu.matmul %get3A_1, %slice3A_252, %dot_general3A_253 {dimension_numbers = #tpu.dot_dimension_numbers<[1], [1], [0], [0], [0, 0, 1, 0], [], []>, transpose_lhs_hint = false} : vector<1000x64xf32>, vector<128x64xf32>, vector<1000x128xf32> -> vector<1000x128xf32>
    %add3A_255 = vector.broadcast %get3A_4 : vector<1000x1xf32> to vector<1000x128xf32>
    %add3A_256 = arith.addf %dot_general3A_254, %add3A_255 : vector<1000x128xf32>
    %swap3A_257 = arith.constant 11 : index
    %swap3A_258 = arith.constant 0 : index
    %swap3A_259 = arith.constant 0 : index
    %swap3A_260 = vector.load %arg5[%swap3A_257, %swap3A_258, %swap3A_259] : memref<20x1000x128xf32, #tpu.memory_space<vmem>>, vector<1x1000x128xf32>
    %swap3A_261 = vector.shape_cast %swap3A_260 : vector<1x1000x128xf32> to vector<1000x128xf32>
    %swap3A_262 = vector.shape_cast %add3A_256 : vector<1000x128xf32> to vector<1x1000x128xf32>
    tpu.vector_store %arg5[%swap3A_257, %swap3A_258, %swap3A_259], %swap3A_262 {strides = array<i32>} : memref<20x1000x128xf32, #tpu.memory_space<vmem>>, vector<1x1000x128xf32>,
    %exp3A_263 = math.exp %add3A_256 : vector<1000x128xf32>
    %reduce_sum3A_264 = arith.constant dense<0.000000e+00> : vector<128xf32>
    %reduce_sum3A_265 = vector.multi_reduction <add>, %exp3A_263, %reduce_sum3A_264 [0] : vector<1000x128xf32> to vector<128xf32>
    %broadcast_in_dim3A_266 = vector.shape_cast %reduce_sum3A_265 : vector<128xf32> to vector<1x128xf32>
    %log3A_267 = math.log %broadcast_in_dim3A_266 : vector<1x128xf32>
    %reduce_sum3A_268 = vector.shape_cast %log3A_267 : vector<1x128xf32> to vector<1x1x128xf32>
    %reduce_sum3A_269 = arith.constant dense<0.000000e+00> : vector<1xf32>
    %reduce_sum3A_270 = vector.multi_reduction <add>, %reduce_sum3A_268, %reduce_sum3A_269 [1, 2] : vector<1x1x128xf32> to vector<1xf32>
    %reduce_sum3A_271 = vector.shape_cast %reduce_sum3A_270 : vector<1xf32> to vector<1x1x1xf32>
    %reduce_sum3A_272 = vector.extract %reduce_sum3A_271[0, 0, 0] : f32 from vector<1x1x1xf32>
    %add3A_273 = arith.addf %add3A_251, %reduce_sum3A_272 : f32
    %slice3A_274 = vector.extract_strided_slice %slice3A {offsets = [1536, 0], sizes = [128, 64], strides = [1, 1]} : vector<2560x64xf32> to vector<128x64xf32>
    %dot_general3A_275 = arith.constant dense<0.000000e+00> : vector<1000x128xf32>
    %dot_general3A_276 = tpu.matmul %get3A_1, %slice3A_274, %dot_general3A_275 {dimension_numbers = #tpu.dot_dimension_numbers<[1], [1], [0], [0], [0, 0, 1, 0], [], []>, transpose_lhs_hint = false} : vector<1000x64xf32>, vector<128x64xf32>, vector<1000x128xf32> -> vector<1000x128xf32>
    %add3A_277 = vector.broadcast %get3A_4 : vector<1000x1xf32> to vector<1000x128xf32>
    %add3A_278 = arith.addf %dot_general3A_276, %add3A_277 : vector<1000x128xf32>
    %swap3A_279 = arith.constant 12 : index
    %swap3A_280 = arith.constant 0 : index
    %swap3A_281 = arith.constant 0 : index
    %swap3A_282 = vector.load %arg5[%swap3A_279, %swap3A_280, %swap3A_281] : memref<20x1000x128xf32, #tpu.memory_space<vmem>>, vector<1x1000x128xf32>
    %swap3A_283 = vector.shape_cast %swap3A_282 : vector<1x1000x128xf32> to vector<1000x128xf32>
    %swap3A_284 = vector.shape_cast %add3A_278 : vector<1000x128xf32> to vector<1x1000x128xf32>
    tpu.vector_store %arg5[%swap3A_279, %swap3A_280, %swap3A_281], %swap3A_284 {strides = array<i32>} : memref<20x1000x128xf32, #tpu.memory_space<vmem>>, vector<1x1000x128xf32>,
    %exp3A_285 = math.exp %add3A_278 : vector<1000x128xf32>
    %reduce_sum3A_286 = arith.constant dense<0.000000e+00> : vector<128xf32>
    %reduce_sum3A_287 = vector.multi_reduction <add>, %exp3A_285, %reduce_sum3A_286 [0] : vector<1000x128xf32> to vector<128xf32>
    %broadcast_in_dim3A_288 = vector.shape_cast %reduce_sum3A_287 : vector<128xf32> to vector<1x128xf32>
    %log3A_289 = math.log %broadcast_in_dim3A_288 : vector<1x128xf32>
    %reduce_sum3A_290 = vector.shape_cast %log3A_289 : vector<1x128xf32> to vector<1x1x128xf32>
    %reduce_sum3A_291 = arith.constant dense<0.000000e+00> : vector<1xf32>
    %reduce_sum3A_292 = vector.multi_reduction <add>, %reduce_sum3A_290, %reduce_sum3A_291 [1, 2] : vector<1x1x128xf32> to vector<1xf32>
    %reduce_sum3A_293 = vector.shape_cast %reduce_sum3A_292 : vector<1xf32> to vector<1x1x1xf32>
    %reduce_sum3A_294 = vector.extract %reduce_sum3A_293[0, 0, 0] : f32 from vector<1x1x1xf32>
    %add3A_295 = arith.addf %add3A_273, %reduce_sum3A_294 : f32
    %slice3A_296 = vector.extract_strided_slice %slice3A {offsets = [1664, 0], sizes = [128, 64], strides = [1, 1]} : vector<2560x64xf32> to vector<128x64xf32>
    %dot_general3A_297 = arith.constant dense<0.000000e+00> : vector<1000x128xf32>
    %dot_general3A_298 = tpu.matmul %get3A_1, %slice3A_296, %dot_general3A_297 {dimension_numbers = #tpu.dot_dimension_numbers<[1], [1], [0], [0], [0, 0, 1, 0], [], []>, transpose_lhs_hint = false} : vector<1000x64xf32>, vector<128x64xf32>, vector<1000x128xf32> -> vector<1000x128xf32>
    %add3A_299 = vector.broadcast %get3A_4 : vector<1000x1xf32> to vector<1000x128xf32>
    %add3A_300 = arith.addf %dot_general3A_298, %add3A_299 : vector<1000x128xf32>
    %swap3A_301 = arith.constant 13 : index
    %swap3A_302 = arith.constant 0 : index
    %swap3A_303 = arith.constant 0 : index
    %swap3A_304 = vector.load %arg5[%swap3A_301, %swap3A_302, %swap3A_303] : memref<20x1000x128xf32, #tpu.memory_space<vmem>>, vector<1x1000x128xf32>
    %swap3A_305 = vector.shape_cast %swap3A_304 : vector<1x1000x128xf32> to vector<1000x128xf32>
    %swap3A_306 = vector.shape_cast %add3A_300 : vector<1000x128xf32> to vector<1x1000x128xf32>
    tpu.vector_store %arg5[%swap3A_301, %swap3A_302, %swap3A_303], %swap3A_306 {strides = array<i32>} : memref<20x1000x128xf32, #tpu.memory_space<vmem>>, vector<1x1000x128xf32>,
    %exp3A_307 = math.exp %add3A_300 : vector<1000x128xf32>
    %reduce_sum3A_308 = arith.constant dense<0.000000e+00> : vector<128xf32>
    %reduce_sum3A_309 = vector.multi_reduction <add>, %exp3A_307, %reduce_sum3A_308 [0] : vector<1000x128xf32> to vector<128xf32>
    %broadcast_in_dim3A_310 = vector.shape_cast %reduce_sum3A_309 : vector<128xf32> to vector<1x128xf32>
    %log3A_311 = math.log %broadcast_in_dim3A_310 : vector<1x128xf32>
    %reduce_sum3A_312 = vector.shape_cast %log3A_311 : vector<1x128xf32> to vector<1x1x128xf32>
    %reduce_sum3A_313 = arith.constant dense<0.000000e+00> : vector<1xf32>
    %reduce_sum3A_314 = vector.multi_reduction <add>, %reduce_sum3A_312, %reduce_sum3A_313 [1, 2] : vector<1x1x128xf32> to vector<1xf32>
    %reduce_sum3A_315 = vector.shape_cast %reduce_sum3A_314 : vector<1xf32> to vector<1x1x1xf32>
    %reduce_sum3A_316 = vector.extract %reduce_sum3A_315[0, 0, 0] : f32 from vector<1x1x1xf32>
    %add3A_317 = arith.addf %add3A_295, %reduce_sum3A_316 : f32
    %slice3A_318 = vector.extract_strided_slice %slice3A {offsets = [1792, 0], sizes = [128, 64], strides = [1, 1]} : vector<2560x64xf32> to vector<128x64xf32>
    %dot_general3A_319 = arith.constant dense<0.000000e+00> : vector<1000x128xf32>
    %dot_general3A_320 = tpu.matmul %get3A_1, %slice3A_318, %dot_general3A_319 {dimension_numbers = #tpu.dot_dimension_numbers<[1], [1], [0], [0], [0, 0, 1, 0], [], []>, transpose_lhs_hint = false} : vector<1000x64xf32>, vector<128x64xf32>, vector<1000x128xf32> -> vector<1000x128xf32>
    %add3A_321 = vector.broadcast %get3A_4 : vector<1000x1xf32> to vector<1000x128xf32>
    %add3A_322 = arith.addf %dot_general3A_320, %add3A_321 : vector<1000x128xf32>
    %swap3A_323 = arith.constant 14 : index
    %swap3A_324 = arith.constant 0 : index
    %swap3A_325 = arith.constant 0 : index
    %swap3A_326 = vector.load %arg5[%swap3A_323, %swap3A_324, %swap3A_325] : memref<20x1000x128xf32, #tpu.memory_space<vmem>>, vector<1x1000x128xf32>
    %swap3A_327 = vector.shape_cast %swap3A_326 : vector<1x1000x128xf32> to vector<1000x128xf32>
    %swap3A_328 = vector.shape_cast %add3A_322 : vector<1000x128xf32> to vector<1x1000x128xf32>
    tpu.vector_store %arg5[%swap3A_323, %swap3A_324, %swap3A_325], %swap3A_328 {strides = array<i32>} : memref<20x1000x128xf32, #tpu.memory_space<vmem>>, vector<1x1000x128xf32>,
    %exp3A_329 = math.exp %add3A_322 : vector<1000x128xf32>
    %reduce_sum3A_330 = arith.constant dense<0.000000e+00> : vector<128xf32>
    %reduce_sum3A_331 = vector.multi_reduction <add>, %exp3A_329, %reduce_sum3A_330 [0] : vector<1000x128xf32> to vector<128xf32>
    %broadcast_in_dim3A_332 = vector.shape_cast %reduce_sum3A_331 : vector<128xf32> to vector<1x128xf32>
    %log3A_333 = math.log %broadcast_in_dim3A_332 : vector<1x128xf32>
    %reduce_sum3A_334 = vector.shape_cast %log3A_333 : vector<1x128xf32> to vector<1x1x128xf32>
    %reduce_sum3A_335 = arith.constant dense<0.000000e+00> : vector<1xf32>
    %reduce_sum3A_336 = vector.multi_reduction <add>, %reduce_sum3A_334, %reduce_sum3A_335 [1, 2] : vector<1x1x128xf32> to vector<1xf32>
    %reduce_sum3A_337 = vector.shape_cast %reduce_sum3A_336 : vector<1xf32> to vector<1x1x1xf32>
    %reduce_sum3A_338 = vector.extract %reduce_sum3A_337[0, 0, 0] : f32 from vector<1x1x1xf32>
    %add3A_339 = arith.addf %add3A_317, %reduce_sum3A_338 : f32
    %slice3A_340 = vector.extract_strided_slice %slice3A {offsets = [1920, 0], sizes = [128, 64], strides = [1, 1]} : vector<2560x64xf32> to vector<128x64xf32>
    %dot_general3A_341 = arith.constant dense<0.000000e+00> : vector<1000x128xf32>
    %dot_general3A_342 = tpu.matmul %get3A_1, %slice3A_340, %dot_general3A_341 {dimension_numbers = #tpu.dot_dimension_numbers<[1], [1], [0], [0], [0, 0, 1, 0], [], []>, transpose_lhs_hint = false} : vector<1000x64xf32>, vector<128x64xf32>, vector<1000x128xf32> -> vector<1000x128xf32>
    %add3A_343 = vector.broadcast %get3A_4 : vector<1000x1xf32> to vector<1000x128xf32>
    %add3A_344 = arith.addf %dot_general3A_342, %add3A_343 : vector<1000x128xf32>
    %swap3A_345 = arith.constant 15 : index
    %swap3A_346 = arith.constant 0 : index
    %swap3A_347 = arith.constant 0 : index
    %swap3A_348 = vector.load %arg5[%swap3A_345, %swap3A_346, %swap3A_347] : memref<20x1000x128xf32, #tpu.memory_space<vmem>>, vector<1x1000x128xf32>
    %swap3A_349 = vector.shape_cast %swap3A_348 : vector<1x1000x128xf32> to vector<1000x128xf32>
    %swap3A_350 = vector.shape_cast %add3A_344 : vector<1000x128xf32> to vector<1x1000x128xf32>
    tpu.vector_store %arg5[%swap3A_345, %swap3A_346, %swap3A_347], %swap3A_350 {strides = array<i32>} : memref<20x1000x128xf32, #tpu.memory_space<vmem>>, vector<1x1000x128xf32>,
    %exp3A_351 = math.exp %add3A_344 : vector<1000x128xf32>
    %reduce_sum3A_352 = arith.constant dense<0.000000e+00> : vector<128xf32>
    %reduce_sum3A_353 = vector.multi_reduction <add>, %exp3A_351, %reduce_sum3A_352 [0] : vector<1000x128xf32> to vector<128xf32>
    %broadcast_in_dim3A_354 = vector.shape_cast %reduce_sum3A_353 : vector<128xf32> to vector<1x128xf32>
    %log3A_355 = math.log %broadcast_in_dim3A_354 : vector<1x128xf32>
    %reduce_sum3A_356 = vector.shape_cast %log3A_355 : vector<1x128xf32> to vector<1x1x128xf32>
    %reduce_sum3A_357 = arith.constant dense<0.000000e+00> : vector<1xf32>
    %reduce_sum3A_358 = vector.multi_reduction <add>, %reduce_sum3A_356, %reduce_sum3A_357 [1, 2] : vector<1x1x128xf32> to vector<1xf32>
    %reduce_sum3A_359 = vector.shape_cast %reduce_sum3A_358 : vector<1xf32> to vector<1x1x1xf32>
    %reduce_sum3A_360 = vector.extract %reduce_sum3A_359[0, 0, 0] : f32 from vector<1x1x1xf32>
    %add3A_361 = arith.addf %add3A_339, %reduce_sum3A_360 : f32
    %slice3A_362 = vector.extract_strided_slice %slice3A {offsets = [2048, 0], sizes = [128, 64], strides = [1, 1]} : vector<2560x64xf32> to vector<128x64xf32>
    %dot_general3A_363 = arith.constant dense<0.000000e+00> : vector<1000x128xf32>
    %dot_general3A_364 = tpu.matmul %get3A_1, %slice3A_362, %dot_general3A_363 {dimension_numbers = #tpu.dot_dimension_numbers<[1], [1], [0], [0], [0, 0, 1, 0], [], []>, transpose_lhs_hint = false} : vector<1000x64xf32>, vector<128x64xf32>, vector<1000x128xf32> -> vector<1000x128xf32>
    %add3A_365 = vector.broadcast %get3A_4 : vector<1000x1xf32> to vector<1000x128xf32>
    %add3A_366 = arith.addf %dot_general3A_364, %add3A_365 : vector<1000x128xf32>
    %swap3A_367 = arith.constant 16 : index
    %swap3A_368 = arith.constant 0 : index
    %swap3A_369 = arith.constant 0 : index
    %swap3A_370 = vector.load %arg5[%swap3A_367, %swap3A_368, %swap3A_369] : memref<20x1000x128xf32, #tpu.memory_space<vmem>>, vector<1x1000x128xf32>
    %swap3A_371 = vector.shape_cast %swap3A_370 : vector<1x1000x128xf32> to vector<1000x128xf32>
    %swap3A_372 = vector.shape_cast %add3A_366 : vector<1000x128xf32> to vector<1x1000x128xf32>
    tpu.vector_store %arg5[%swap3A_367, %swap3A_368, %swap3A_369], %swap3A_372 {strides = array<i32>} : memref<20x1000x128xf32, #tpu.memory_space<vmem>>, vector<1x1000x128xf32>,
    %exp3A_373 = math.exp %add3A_366 : vector<1000x128xf32>
    %reduce_sum3A_374 = arith.constant dense<0.000000e+00> : vector<128xf32>
    %reduce_sum3A_375 = vector.multi_reduction <add>, %exp3A_373, %reduce_sum3A_374 [0] : vector<1000x128xf32> to vector<128xf32>
    %broadcast_in_dim3A_376 = vector.shape_cast %reduce_sum3A_375 : vector<128xf32> to vector<1x128xf32>
    %log3A_377 = math.log %broadcast_in_dim3A_376 : vector<1x128xf32>
    %reduce_sum3A_378 = vector.shape_cast %log3A_377 : vector<1x128xf32> to vector<1x1x128xf32>
    %reduce_sum3A_379 = arith.constant dense<0.000000e+00> : vector<1xf32>
    %reduce_sum3A_380 = vector.multi_reduction <add>, %reduce_sum3A_378, %reduce_sum3A_379 [1, 2] : vector<1x1x128xf32> to vector<1xf32>
    %reduce_sum3A_381 = vector.shape_cast %reduce_sum3A_380 : vector<1xf32> to vector<1x1x1xf32>
    %reduce_sum3A_382 = vector.extract %reduce_sum3A_381[0, 0, 0] : f32 from vector<1x1x1xf32>
    %add3A_383 = arith.addf %add3A_361, %reduce_sum3A_382 : f32
    %slice3A_384 = vector.extract_strided_slice %slice3A {offsets = [2176, 0], sizes = [128, 64], strides = [1, 1]} : vector<2560x64xf32> to vector<128x64xf32>
    %dot_general3A_385 = arith.constant dense<0.000000e+00> : vector<1000x128xf32>
    %dot_general3A_386 = tpu.matmul %get3A_1, %slice3A_384, %dot_general3A_385 {dimension_numbers = #tpu.dot_dimension_numbers<[1], [1], [0], [0], [0, 0, 1, 0], [], []>, transpose_lhs_hint = false} : vector<1000x64xf32>, vector<128x64xf32>, vector<1000x128xf32> -> vector<1000x128xf32>
    %add3A_387 = vector.broadcast %get3A_4 : vector<1000x1xf32> to vector<1000x128xf32>
    %add3A_388 = arith.addf %dot_general3A_386, %add3A_387 : vector<1000x128xf32>
    %swap3A_389 = arith.constant 17 : index
    %swap3A_390 = arith.constant 0 : index
    %swap3A_391 = arith.constant 0 : index
    %swap3A_392 = vector.load %arg5[%swap3A_389, %swap3A_390, %swap3A_391] : memref<20x1000x128xf32, #tpu.memory_space<vmem>>, vector<1x1000x128xf32>
    %swap3A_393 = vector.shape_cast %swap3A_392 : vector<1x1000x128xf32> to vector<1000x128xf32>
    %swap3A_394 = vector.shape_cast %add3A_388 : vector<1000x128xf32> to vector<1x1000x128xf32>
    tpu.vector_store %arg5[%swap3A_389, %swap3A_390, %swap3A_391], %swap3A_394 {strides = array<i32>} : memref<20x1000x128xf32, #tpu.memory_space<vmem>>, vector<1x1000x128xf32>,
    %exp3A_395 = math.exp %add3A_388 : vector<1000x128xf32>
    %reduce_sum3A_396 = arith.constant dense<0.000000e+00> : vector<128xf32>
    %reduce_sum3A_397 = vector.multi_reduction <add>, %exp3A_395, %reduce_sum3A_396 [0] : vector<1000x128xf32> to vector<128xf32>
    %broadcast_in_dim3A_398 = vector.shape_cast %reduce_sum3A_397 : vector<128xf32> to vector<1x128xf32>
    %log3A_399 = math.log %broadcast_in_dim3A_398 : vector<1x128xf32>
    %reduce_sum3A_400 = vector.shape_cast %log3A_399 : vector<1x128xf32> to vector<1x1x128xf32>
    %reduce_sum3A_401 = arith.constant dense<0.000000e+00> : vector<1xf32>
    %reduce_sum3A_402 = vector.multi_reduction <add>, %reduce_sum3A_400, %reduce_sum3A_401 [1, 2] : vector<1x1x128xf32> to vector<1xf32>
    %reduce_sum3A_403 = vector.shape_cast %reduce_sum3A_402 : vector<1xf32> to vector<1x1x1xf32>
    %reduce_sum3A_404 = vector.extract %reduce_sum3A_403[0, 0, 0] : f32 from vector<1x1x1xf32>
    %add3A_405 = arith.addf %add3A_383, %reduce_sum3A_404 : f32
    %slice3A_406 = vector.extract_strided_slice %slice3A {offsets = [2304, 0], sizes = [128, 64], strides = [1, 1]} : vector<2560x64xf32> to vector<128x64xf32>
    %dot_general3A_407 = arith.constant dense<0.000000e+00> : vector<1000x128xf32>
    %dot_general3A_408 = tpu.matmul %get3A_1, %slice3A_406, %dot_general3A_407 {dimension_numbers = #tpu.dot_dimension_numbers<[1], [1], [0], [0], [0, 0, 1, 0], [], []>, transpose_lhs_hint = false} : vector<1000x64xf32>, vector<128x64xf32>, vector<1000x128xf32> -> vector<1000x128xf32>
    %add3A_409 = vector.broadcast %get3A_4 : vector<1000x1xf32> to vector<1000x128xf32>
    %add3A_410 = arith.addf %dot_general3A_408, %add3A_409 : vector<1000x128xf32>
    %swap3A_411 = arith.constant 18 : index
    %swap3A_412 = arith.constant 0 : index
    %swap3A_413 = arith.constant 0 : index
    %swap3A_414 = vector.load %arg5[%swap3A_411, %swap3A_412, %swap3A_413] : memref<20x1000x128xf32, #tpu.memory_space<vmem>>, vector<1x1000x128xf32>
    %swap3A_415 = vector.shape_cast %swap3A_414 : vector<1x1000x128xf32> to vector<1000x128xf32>
    %swap3A_416 = vector.shape_cast %add3A_410 : vector<1000x128xf32> to vector<1x1000x128xf32>
    tpu.vector_store %arg5[%swap3A_411, %swap3A_412, %swap3A_413], %swap3A_416 {strides = array<i32>} : memref<20x1000x128xf32, #tpu.memory_space<vmem>>, vector<1x1000x128xf32>,
    %exp3A_417 = math.exp %add3A_410 : vector<1000x128xf32>
    %reduce_sum3A_418 = arith.constant dense<0.000000e+00> : vector<128xf32>
    %reduce_sum3A_419 = vector.multi_reduction <add>, %exp3A_417, %reduce_sum3A_418 [0] : vector<1000x128xf32> to vector<128xf32>
    %broadcast_in_dim3A_420 = vector.shape_cast %reduce_sum3A_419 : vector<128xf32> to vector<1x128xf32>
    %log3A_421 = math.log %broadcast_in_dim3A_420 : vector<1x128xf32>
    %reduce_sum3A_422 = vector.shape_cast %log3A_421 : vector<1x128xf32> to vector<1x1x128xf32>
    %reduce_sum3A_423 = arith.constant dense<0.000000e+00> : vector<1xf32>
    %reduce_sum3A_424 = vector.multi_reduction <add>, %reduce_sum3A_422, %reduce_sum3A_423 [1, 2] : vector<1x1x128xf32> to vector<1xf32>
    %reduce_sum3A_425 = vector.shape_cast %reduce_sum3A_424 : vector<1xf32> to vector<1x1x1xf32>
    %reduce_sum3A_426 = vector.extract %reduce_sum3A_425[0, 0, 0] : f32 from vector<1x1x1xf32>
    %add3A_427 = arith.addf %add3A_405, %reduce_sum3A_426 : f32
    %slice3A_428 = vector.extract_strided_slice %slice3A {offsets = [2432, 0], sizes = [128, 64], strides = [1, 1]} : vector<2560x64xf32> to vector<128x64xf32>
    %dot_general3A_429 = arith.constant dense<0.000000e+00> : vector<1000x128xf32>
    %dot_general3A_430 = tpu.matmul %get3A_1, %slice3A_428, %dot_general3A_429 {dimension_numbers = #tpu.dot_dimension_numbers<[1], [1], [0], [0], [0, 0, 1, 0], [], []>, transpose_lhs_hint = false} : vector<1000x64xf32>, vector<128x64xf32>, vector<1000x128xf32> -> vector<1000x128xf32>
    %add3A_431 = vector.broadcast %get3A_4 : vector<1000x1xf32> to vector<1000x128xf32>
    %add3A_432 = arith.addf %dot_general3A_430, %add3A_431 : vector<1000x128xf32>
    %swap3A_433 = arith.constant 19 : index
    %swap3A_434 = arith.constant 0 : index
    %swap3A_435 = arith.constant 0 : index
    %swap3A_436 = vector.load %arg5[%swap3A_433, %swap3A_434, %swap3A_435] : memref<20x1000x128xf32, #tpu.memory_space<vmem>>, vector<1x1000x128xf32>
    %swap3A_437 = vector.shape_cast %swap3A_436 : vector<1x1000x128xf32> to vector<1000x128xf32>
    %swap3A_438 = vector.shape_cast %add3A_432 : vector<1000x128xf32> to vector<1x1000x128xf32>
    tpu.vector_store %arg5[%swap3A_433, %swap3A_434, %swap3A_435], %swap3A_438 {strides = array<i32>} : memref<20x1000x128xf32, #tpu.memory_space<vmem>>, vector<1x1000x128xf32>,
    %exp3A_439 = math.exp %add3A_432 : vector<1000x128xf32>
    %reduce_sum3A_440 = arith.constant dense<0.000000e+00> : vector<128xf32>
    %reduce_sum3A_441 = vector.multi_reduction <add>, %exp3A_439, %reduce_sum3A_440 [0] : vector<1000x128xf32> to vector<128xf32>
    %broadcast_in_dim3A_442 = vector.shape_cast %reduce_sum3A_441 : vector<128xf32> to vector<1x128xf32>
    %log3A_443 = math.log %broadcast_in_dim3A_442 : vector<1x128xf32>
    %reduce_sum3A_444 = vector.shape_cast %log3A_443 : vector<1x128xf32> to vector<1x1x128xf32>
    %reduce_sum3A_445 = arith.constant dense<0.000000e+00> : vector<1xf32>
    %reduce_sum3A_446 = vector.multi_reduction <add>, %reduce_sum3A_444, %reduce_sum3A_445 [1, 2] : vector<1x1x128xf32> to vector<1xf32>
    %reduce_sum3A_447 = vector.shape_cast %reduce_sum3A_446 : vector<1xf32> to vector<1x1x1xf32>
    %reduce_sum3A_448 = vector.extract %reduce_sum3A_447[0, 0, 0] : f32 from vector<1x1x1xf32>
    %add3A_449 = arith.addf %add3A_427, %reduce_sum3A_448 : f32
    %mul3A = arith.mulf %slice3A, %slice3A_11 : vector<2560x64xf32>
    %reduce_sum3A_450 = arith.constant dense<0.000000e+00> : vector<2560xf32>
    %reduce_sum3A_451 = vector.multi_reduction <add>, %mul3A, %reduce_sum3A_450 [1] : vector<2560x64xf32> to vector<2560xf32>
    %broadcast_in_dim3A_452 = vector.shape_cast %reduce_sum3A_451 : vector<2560xf32> to vector<2560x1xf32>
    %add3A_453 = arith.addf %broadcast_in_dim3A_452, %slice3A_15 : vector<2560x1xf32>
    %reduce_sum3A_454 = vector.shape_cast %add3A_453 : vector<2560x1xf32> to vector<1x2560x1xf32>
    %reduce_sum3A_455 = arith.constant dense<0.000000e+00> : vector<1xf32>
    %reduce_sum3A_456 = vector.multi_reduction <add>, %reduce_sum3A_454, %reduce_sum3A_455 [1, 2] : vector<1x2560x1xf32> to vector<1xf32>
    %reduce_sum3A_457 = vector.shape_cast %reduce_sum3A_456 : vector<1xf32> to vector<1x1x1xf32>
    %reduce_sum3A_458 = vector.extract %reduce_sum3A_457[0, 0, 0] : f32 from vector<1x1x1xf32>
    %sub3A = arith.subf %add3A_449, %reduce_sum3A_458 : f32
    %eq3A = arith.constant 0 : i32
    %eq3A_459 = arith.cmpi eq, %arg0, %eq3A : i32
    %convert_element_type3A = arith.extui %eq3A_459 : i1 to i32
    %cond3A = arith.constant 0 : i32
    %cond3A_460 = arith.cmpi ne, %convert_element_type3A, %cond3A : i32
    scf.if %cond3A_460 {
      %swap3A_468 = arith.constant 0.000000e+00 : f32
      %swap3A_469 = arith.constant 0 : index
      %swap3A_470 = arith.constant 0 : index
      %swap3A_471 = memref.load %arg6[%swap3A_469, %swap3A_470] : memref<1x1xf32, #tpu.memory_space<smem>>
      memref.store %swap3A_468, %arg6[%swap3A_469, %swap3A_470] : memref<1x1xf32, #tpu.memory_space<smem>>
    } else {
    }
    %get3A_461 = arith.constant 0 : index
    %get3A_462 = arith.constant 0 : index
    %get3A_463 = memref.load %arg6[%get3A_461, %get3A_462] : memref<1x1xf32, #tpu.memory_space<smem>>
    %add3A_464 = arith.addf %get3A_463, %sub3A : f32
    %swap3A_465 = arith.constant 0 : index
    %swap3A_466 = arith.constant 0 : index
    %swap3A_467 = memref.load %arg6[%swap3A_465, %swap3A_466] : memref<1x1xf32, #tpu.memory_space<smem>>
    memref.store %add3A_464, %arg6[%swap3A_465, %swap3A_466] : memref<1x1xf32, #tpu.memory_space<smem>>
    return
  }
  func.func @transform_0(%arg0: i32) -> (i32, i32) {
    %c0_i32 = arith.constant 0 : i32
    %c0_i32_0 = arith.constant 0 : i32
    return %arg0, %c0_i32 : i32, i32
  }
  func.func @transform_1(%arg0: i32) -> (i32, i32) {
    %c0_i32 = arith.constant 0 : i32
    %c0_i32_0 = arith.constant 0 : i32
    return %arg0, %c0_i32 : i32, i32
  }
  func.func @transform_2(%arg0: i32) -> (i32, i32) {
    %c0_i32 = arith.constant 0 : i32
    %c0_i32_0 = arith.constant 0 : i32
    %c0_i32_1 = arith.constant 0 : i32
    return %c0_i32, %c0_i32_0 : i32, i32
  }
  func.func @transform_3(%arg0: i32) -> (i32, i32) {
    %c0_i32 = arith.constant 0 : i32
    %c0_i32_0 = arith.constant 0 : i32
    %c0_i32_1 = arith.constant 0 : i32
    return %c0_i32, %c0_i32_0 : i32, i32
  }
  func.func @transform_4(%arg0: i32) -> (i32, i32, i32) {
    %c0_i32 = arith.constant 0 : i32
    %c0_i32_0 = arith.constant 0 : i32
    %c0_i32_1 = arith.constant 0 : i32
    return %c0_i32, %c0_i32_0, %arg0 : i32, i32, i32
  }
  func.func @transform_5(%arg0: i32) -> (i32, i32) {
    %c0_i32 = arith.constant 0 : i32
    %c0_i32_0 = arith.constant 0 : i32
    %c0_i32_1 = arith.constant 0 : i32
    return %c0_i32, %c0_i32_0 : i32, i32
  }
}

</mosaic_0001>

<sc_bundles>
// kernel: kernel.4.cloned.1.call-start
scs
__scs_entry_jumppad:
0x0: {  	(pc) =	sbr.rel $0x88, $3  }
0x1: {  	(tag) =	ssettag $0x0;
	lr =	simm.s32 $0x1  }
0x2: {  	[smem:$0x3F9C] =	sst lr;
	_ =	strace $0xD0000000  }
0x3: {  	_ = 	snop  }
0x4: {  	_ = 	snop  }
0x5: {  	_ = 	snop  }
0x6: {  	_ = 	snop  }
0x7: {  	_ = 	snop  }
__scs_overlays_trampoline_lowered:
0x8: {  	[smem:$0x3FAB] =	sst s0  }
0x9: {  	[smem:$0x3FAC] =	sst s1  }
0xa: {  	[smem:$0x3FAD] =	sst s2  }
0xb: {  	[smem:$0x3FAE] =	sst s3  }
0xc: {  	[smem:$0x3FAF] =	sst s4  }
0xd: {  	[smem:$0x3FB0] =	sst s5  }
0xe: {  	[smem:$0x3FB1] =	sst s6  }
0xf: {  	[smem:$0x3FB2] =	sst s7  }
0x10: {  	[smem:$0x3FB3] =	sst s8  }
0x11: {  	[smem:$0x3FB4] =	sst s9;
	s0 =	simm.s32 @!p0 $0x0  }
0x12: {  	s1 =	sld [smem:$0x3F9A];
	s0 =	simm.s32 @p0 $0x1  }
0x13: {  	[smem:$0x3FB5] =	sst s0;
	s0 =	simm.s32 @!p1 $0x0  }
0x14: {  	s2 =	sld [smem:$0x3F99];
	s0 =	simm.s32 @p1 $0x1  }
0x15: {  	[smem:$0x3FB6] =	sst s0;
	s0 =	simm.s32 @!p2 $0x0  }
0x16: {  	s3 =	sld [smem:$0x3FDB];
	s0 =	simm.s32 @p2 $0x1  }
0x17: {  	s4 =	simm.s32 $0x1BF5;
	[smem:$0x3FB8] =	sst s0  }
0x18: {  	s0 =	sld [smem:$0x3F9B];
	_ =	swait.ge [sflag:s4], $0x0  }
0x19: {  	s7 =	sld [smem:$0x3F9C]  }
0x1a: {  	s8 =	sadd.s32 $0xFFFFE003, lr  }
0x1b: {  	s9 =	sadd.s32 $0xFFFFFEF7, lr;
	s5 =	simm.s32 $0xFFFFFFFF;
	p2 =	slt.u32 s8, $0xFFFFF086  }
0x1c: {  	p1 =	slt.u32 s9, $0xF7A;
	s5 =	simm.s32 @!p2 $0x0  }
0x1d: {  	s5 =	simm.s32 @p1 $0x1;
	p0 =	seq.s32 s7, s2  }
0x1e: {  	s7 =	smul.u32 @!p0 $0xF7A, s2;
	p2 =	seq.s32 @!p0 s5, $0x0  }
0x1f: {  	s9 =	smul.u32 $0xF7A, s1;
	s8 =	simm.s32 @!p0 $0x1BF5;
	p2 =	por !p2, p0  }
0x20: {  	[sflag:s8] =	ssyncset.s32 @!p0 $0xFFFFF086;
	s6 =	sadd.s32 @!p0 s3, s7;
	s7 =	simm.s32 @!p0 $0x108  }
0x21: {  	s3 =	sadd.s32 s3, s9;
	s6 =	sadd.s32 @!p0 $0x88, s6;
	s7 =	simm.s32 @p2 $0x1082  }
0x22: {  	[simem:s7], [sflag:s8] =	dma.local @!p0 [hbm:s6], $0xF7A  }
0x23: {  	s9 =	sor.u32 $0xD0000000, s2;
	s6 =	simm.s32 $0x108;
	_ =	swait.ge @!p0 [sflag:s8], $0x0  }
0x24: {  	s3 =	sadd.s32 $0x88, s3;
	s6 =	simm.s32 @!p1 $0x1082;
	[sflag:s4] =	ssyncset.s32 $0xFFFFF086  }
0x25: {  	[simem:s6], [sflag:s4] =	dma.local [hbm:s3], $0xF7A  }
0x26: {  	[smem:$0x3F9C] =	sst s1;
	(tag) =	ssettag s2;
	_ =	strace s9  }
0x27: {  	s1 =	sld [smem:$0x3FAC]  }
0x28: {  	s2 =	sld [smem:$0x3FAD]  }
0x29: {  	s4 =	sld [smem:$0x3FAF]  }
0x2a: {  	p0 =	seq.s32 s5, $0x0;
	s5 =	sld [smem:$0x3FB0]  }
0x2b: {  	s6 =	sld [smem:$0x3FB1]  }
0x2c: {  	s7 =	sld [smem:$0x3FB2]  }
0x2d: {  	s3 =	simm.s32 $0x108;
	s8 =	sld [smem:$0x3FB3]  }
0x2e: {  	s3 =	simm.s32 @!p0 $0x1082;
	s9 =	sld [smem:$0x3FB4]  }
0x2f: {  	lr =	sadd.s32 s0, s3;
	s0 =	sld [smem:$0x3FAB]  }
0x30: {  	s3 =	sld [smem:$0x3FAE]  }
0x31: {  	[smem:$0x3FB7] =	sst s10  }
0x32: {  	s10 =	sld [smem:$0x3FB5];
	_ =	sdelay $0x3  }
0x33: {  	p0 =	seq.s32 s10, $0x1;
	s10 =	sld [smem:$0x3FB7];
	_ =	sdelay $0x3  }
0x34: {  	[smem:$0x3FB7] =	sst s10  }
0x35: {  	s10 =	sld [smem:$0x3FB6];
	_ =	sdelay $0x3  }
0x36: {  	p1 =	seq.s32 s10, $0x1;
	s10 =	sld [smem:$0x3FB7];
	_ =	sdelay $0x3  }
0x37: {  	[smem:$0x3FB7] =	sst s10  }
0x38: {  	s10 =	sld [smem:$0x3FB8]  }
0x39: {  	_ = 	snop;
	(pc) =	sbr.ind lr, $3  }
0x3a: {  	_ = 	snop  }
0x3b: {  	_ = 	snop  }
0x3c: {  	p2 =	seq.s32 s10, $0x1;
	s10 =	sld [smem:$0x3FB7]  }
0x3d: {  	_ =	shalt  }
0x3e: {  	_ =	shalt  }
0x3f: {  	_ =	shalt  }
0x40: {  	_ =	shalt  }
0x41: {  	_ =	shalt  }
0x42: {  	_ =	shalt  }
0x43: {  	_ =	shalt  }
0x44: {  	_ =	shalt  }
0x45: {  	_ =	shalt  }
0x46: {  	_ =	shalt  }
0x47: {  	_ =	shalt  }
0x48: {  	_ =	shalt  }
0x49: {  	_ =	shalt  }
0x4a: {  	_ =	shalt  }
0x4b: {  	_ =	shalt  }
0x4c: {  	_ =	shalt  }
0x4d: {  	_ =	shalt  }
0x4e: {  	_ =	shalt  }
0x4f: {  	_ =	shalt  }
0x50: {  	_ =	shalt  }
0x51: {  	_ =	shalt  }
0x52: {  	_ =	shalt  }
0x53: {  	_ =	shalt  }
0x54: {  	_ =	shalt  }
0x55: {  	_ =	shalt  }
0x56: {  	_ =	shalt  }
0x57: {  	_ =	shalt  }
0x58: {  	_ =	shalt  }
0x59: {  	_ =	shalt  }
0x5a: {  	_ =	shalt  }
0x5b: {  	_ =	shalt  }
0x5c: {  	_ =	shalt  }
0x5d: {  	_ =	shalt  }
0x5e: {  	_ =	shalt  }
0x5f: {  	_ =	shalt  }
0x60: {  	_ =	shalt  }
0x61: {  	_ =	shalt  }
0x62: {  	_ =	shalt  }
0x63: {  	_ =	shalt  }
0x64: {  	_ =	shalt  }
0x65: {  	_ =	shalt  }
0x66: {  	_ =	shalt  }
0x67: {  	_ =	shalt  }
0x68: {  	_ =	shalt  }
0x69: {  	_ =	shalt  }
0x6a: {  	_ =	shalt  }
0x6b: {  	_ =	shalt  }
0x6c: {  	_ =	shalt  }
0x6d: {  	_ =	shalt  }
0x6e: {  	_ =	shalt  }
0x6f: {  	_ =	shalt  }
0x70: {  	_ =	shalt  }
0x71: {  	_ =	shalt  }
0x72: {  	_ =	shalt  }
0x73: {  	_ =	shalt  }
0x74: {  	_ =	shalt  }
0x75: {  	_ =	shalt  }
0x76: {  	_ =	shalt  }
0x77: {  	_ =	shalt  }
0x78: {  	_ =	shalt  }
0x79: {  	_ =	shalt  }
0x7a: {  	_ =	shalt  }
0x7b: {  	_ =	shalt  }
0x7c: {  	_ =	shalt  }
0x7d: {  	_ =	shalt  }
0x7e: {  	_ =	shalt  }
0x7f: {  	_ =	shalt  }
0x80: {  	_ =	shalt  }
0x81: {  	_ =	shalt  }
0x82: {  	_ =	shalt  }
0x83: {  	_ =	shalt  }
0x84: {  	_ =	shalt  }
0x85: {  	_ =	shalt  }
0x86: {  	_ =	shalt  }
0x87: {  	_ =	shalt  }
.Lfunc_end0:
.L_simem_size_0:
called_computation_lowered:
.L_overlay_start_0:
0x88: {  	s2 =	sld [smem:$0x3FD9]  }
0x89: {  	s3 =	sld [smem:$0x3FFE];
	_ =	sdelay $0x1  }
0x8a: {  	s1 =	srdreg.scid  }
0x8b: {  	s0 =	sand.u32 $0x1, s1  }
0x8c: {  	s14 =	sshll.u32 s0, $0xA;
	s2 =	sadd.s32 s3, s2  }
0x8d: {  	s2 =	sadd.s32 s2, s14  }
0x8e: {  	[smem:$0x3FC3] =	sst s2  }
0x8f: {  	_ = 	snop  }
0x90: {  	s2 =	sld [smem:$0x3FD0];
	_ =	sdelay $0x2  }
0x91: {  	s15 =	simm.s32 $0xA;
	s4 =	simm.s32 $0x10  }
0x92: {  	[smem:s4], [sflag:s15] =	dma.local [hbm:s2], $0x1  }
0x93: {  	_ =	swait.eq [sflag:s15], $0x1  }
0x94: {  	[sflag:s15] =	ssyncset.done $0x0  }
0x95: {  	[sflag:s15] =	ssyncadd.s32 $0xFFFFFFFF  }
0x96: {  	s16 =	sld [smem:$0x10];
	(tm) =	ssettm $0x1  }
0x97: {  	s17 =	sld [smem:$0x3FFB];
	_ =	sdelay $0x3  }
0x98: {  	_ =	strace s17  }
0x99: {  	s3 =	sld [smem:$0x3FFC];
	_ =	sdelay $0x3  }
0x9a: {  	_ =	strace s3  }
0x9b: {  	s3 =	sld [smem:$0x3FFD];
	_ =	sdelay $0x3  }
0x9c: {  	_ =	strace s3  }
0x9d: {  	_ =	strace $0x8FFFFFFF  }
0x9e: {  	s18 =	sld [smem:$0x3FDB];
	_ =	sdelay $0x1  }
0x9f: {  	s19 =	simm.s32 $_scs_section_size  }
0xa0: {  	s5 =	simm.s32 $_size__tile_overlayer_lowered;
	s6 =	simm.s32 $_tile_overlayer_lowered  }
0xa1: {  	s22 =	simm.s32 $0x1BFF;
	s21 =	sshll.u32 s6, $0x1;
	s3 =	sadd.s32 s19, s18  }
0xa2: {  	s7 =	simm.s32 $0x0;
	s20 =	sshll.u32 s5, $0x1;
	s5 =	sadd.s32 s21, s3  }
0xa3: {  	[timem:s7], [sflag:s22] =	dma.local [hbm:s5], s20  }
0xa4: {  	_ =	swait.ge [sflag:s22], s20  }
0xa5: {  	s4 =	ssub.s32 $0x0, s20;
	[sflag:s22] =	ssyncset.done $0x0  }
0xa6: {  	[sflag:s22] =	ssyncadd.s32 s4;
	_ =	sdelay $0x1  }
0xa7: {  	s23 =	simm.s32 $0x1B8B  }
0xa8: {  	_ =	swait.ge [sflag:s23], $0x1  }
0xa9: {  	[sflag:s23] =	ssyncset.done $0x0  }
0xaa: {  	s25 =	simm.s32 $0x1B8E;
	s24 =	sld [smem:$0x3FFE];
	[sflag:s23] =	ssyncadd.s32 $0xFFFFFFFF  }
0xab: {  	s26 =	simm.s32 $execute0_lowered;
	[smem:$0x3FD2] =	sst s25  }
0xac: {  	s5 =	sshll.u32 s26, $0x1;
	_ =	strace $0x80000046;
	[dreg:$0x1] =	wrdreg $0xFFFFFFFF  }
0xad: {  	s28 =	simm.s32 $_size_execute0_lowered;
	s3 =	sadd.s32 s3, s5;
	[dreg:$0x0] =	wrdreg $0x0  }
0xae: {  	s5 =	sshll.u32 s28, $0x1;
	[dreg:$0x2] =	wrdreg s3  }
0xaf: {  	[dreg:$0x3] =	wrdreg s5  }
0xb0: {  	[dreg:$0x4] =	wrdreg $0xC0  }
0xb1: {  	_ =	task [dreg:s7], $0x5FFFF  }
0xb2: {  	[dreg:$0x1] =	wrdreg $0xFFFFFFFF  }
0xb3: {  	[dreg:$0x0] =	wrdreg $0x60  }
0xb4: {  	[dreg:$0x2] =	wrdreg s24  }
0xb5: {  	[dreg:$0x3] =	wrdreg s16  }
0xb6: {  	[dreg:$0x4] =	wrdreg $0x9  }
0xb7: {  	_ =	task.clear_ibuf [dreg:s7], $0x5FFFF;
	_ =	strace $0x90000046  }
0xb8: {  	s29 =	simm.s32 $0x9;
	_ =	strace $0x80000048  }
0xb9: {  	_ =	swait.ge [sflag:s29], $0x1  }
0xba: {  	[sflag:s29] =	ssyncadd.s32 $0xFFFFFFFF  }
0xbb: {  	_ =	strace $0x90000048  }
0xbc: {  	_ =	sfence  }
0xbd: {  	s30 =	sld [smem:$0x0];
	_ =	sdelay $0x2  }
0xbe: {  	s31 =	sshll.u32 s1, $0xD;
	s1 =	sshrl.u32 s1, $0x2  }
0xbf: {  	s3 =	sand.u32 $0x4000, s31;
	s1 =	sadd.s32 s1, s30  }
0xc0: {  	s0 =	sor.u32 s3, s0;
	s1 =	sshll.u32 s1, $0x11  }
0xc1: {  	s0 =	sor.u32 s1, s0  }
0xc2: {  	s0 =	sadd.s32 $0x8F2B, s0  }
0xc3: {  	[sflag:s0] =	ssyncadd.remote.s32 $0x1  }
0xc4: {  	_ =	sfence.sel $0xFFFF  }
0xc5: {  	[dreg:$0x0] =	wrdreg $0xFFFFFFFF;
	(pc) =	sbr.abs _section_cstart, $3  }
0xc6: {  	[dreg:$0x1] =	wrdreg $0xFFFFFFFF  }
0xc7: {  	_ =	task.clear_ibuf [dreg:s7], $0x2FFFF;
	_ =	strace $0x9FFFFFFF  }
0xc8: {  	(tm) =	ssettm $0x7FFFFFFF  }
0xc9: {  	_ =	shalt  }
tec
execute0_lowered:
.L_overlay_start_1:
0x0: {  	(tag) =	ssettag $0x1  }
0x1: {  	s1 =	srdreg.scid;
	s0 =	stileid.u32  }
0x2: {  	s1 =	sand.u32 $0x1, s1;
	s2 =	sshll.u32 s0, $0x1  }
0x3: {  	s18 =	sor.u32 s1, s2  }
0x4: {  	s3 =	smul.u32 $0x50, s18  }
0x5: {  	s16 =	rddreg [dreg:$0x0]  }
0x6: {  	s30 =	rddreg [dreg:$0x1];
	s2 =	simm.s32 $0x0;
	s3 =	sadd.s32 s3, s16  }
0x7: {  	[smem:$0x7FF] =	sst s2;
	s4 =	sadd.s32 $0xE00, s3  }
0x8: {  	_ =	strace $0x80000047;
	s3 =	sadd.s32 $0x1800, s3;
	[dreg:$0x3] =	wrdreg s4  }
0x9: {  	[dreg:$0x4] =	wrdreg s3  }
0xa: {  	s3 =	simm.s32 $0x3;
	s4 =	rddreg [dreg:$0x3]  }
0xb: {  	[tilespmem:s2], [sflag:$0x3] =	stream.linear.gather [hbm4b:s4+s2], $0x280, $0x38;
	[tilespmem:$0x10500] =	vst v63  }
0xc: {  	_ =	swait.ge [sflag:s3], $0x280  }
0xd: {  	[sflag:s3] =	ssyncset.done $0x0  }
0xe: {  	s4 =	simm.s32 $0x280;
	s5 =	rddreg [dreg:$0x4];
	[sflag:s3] =	ssyncadd.s32 $0xFFFFFD80  }
0xf: {  	[tilespmem:s4], [sflag:$0x3] =	stream.linear.gather [hbm4b:s5+s2], $0x280, $0x38;
	[tilespmem:$0x10500] =	vst v63  }
0x10: {  	_ =	swait.ge [sflag:s3], $0x280  }
0x11: {  	s6 =	simm.s32 $0x80;
	[sflag:s3] =	ssyncset.done $0x0  }
0x12: {  	s7 =	simm.s32 $0x500;
	s5 =	sadd.s32 $0x2200, s16;
	[sflag:s3] =	ssyncadd.s32 $0xFFFFFD80  }
0x13: {  	[tilespmem:s7], [sflag:$0x1] =	stream.indirect.gather [hbm4b:s5+s6], $0x80, s2, s6, $0xb8;
	[tilespmem:$0x10500] =	vst v63  }
0x14: {  	s9 =	simm.s32 $0x8500;
	s8 =	sadd.s32 $0x6200, s16  }
0x15: {  	[tilespmem:s9], [sflag:$0x2] =	stream.indirect.gather [hbm4b:s8+s6], $0x80, s4, s6, $0xb8;
	[tilespmem:$0x10500] =	vst v63  }
0x16: {  	s10 =	simm.s32 $0x4500  }
0x17: {  	[tilespmem:s10], [sflag:$0x1] =	stream.indirect.gather [hbm4b:s5+s6], $0x80, s6, s6, $0xb8;
	[tilespmem:$0x10500] =	vst v63  }
0x18: {  	s11 =	simm.s32 $0x300;
	s12 =	simm.s32 $0xC500;
	s13 =	simm.s32 $0x1  }
0x19: {  	[tilespmem:s12], [sflag:$0x2] =	stream.indirect.gather [hbm4b:s8+s6], $0x80, s11, s6, $0xb8;
	[tilespmem:$0x10500] =	vst v63  }
0x1a: {  	s17 =	smul.u32 $0x2800, s18;
	_ =	swait.ge [sflag:s13], $0x4000  }
0x1b: {  	[sflag:s13] =	ssyncset.done $0x0  }
0x1c: {  	s14 =	sadd.s32 s30, s17;
	[sflag:s13] =	ssyncadd.s32 $0xFFFFC000  }
0x1d: {  	[hbm4b:s14+s2] =	stream.linear.scatter [tilespmem:s7], [sflag:$0x3], $0x4000, $0x38;
	[tilespmem:$0x10500] =	vst v63  }
0x1e: {  	_ =	swait.ge [sflag:s3], $0x4000  }
0x1f: {  	[sflag:s3] =	ssyncset.done $0x0  }
0x20: {  	s15 =	simm.s32 $0x2;
	[sflag:s3] =	ssyncadd.s32 $0xFFFFC000  }
0x21: {  	_ =	swait.ge [sflag:s15], $0x4000  }
0x22: {  	s25 =	sadd.s32 $0xA200, s16;
	[sflag:s15] =	ssyncset.done $0x0  }
0x23: {  	s16 =	sadd.s32 s25, s17;
	[sflag:s15] =	ssyncadd.s32 $0xFFFFC000  }
0x24: {  	[hbm4b:s16+s2] =	stream.linear.scatter [tilespmem:s9], [sflag:$0x3], $0x4000, $0x38;
	[tilespmem:$0x10500] =	vst v63  }
0x25: {  	_ =	swait.ge [sflag:s3], $0x4000  }
0x26: {  	[sflag:s3] =	ssyncset.done $0x0  }
0x27: {  	s17 =	simm.s32 $0x100;
	[sflag:s3] =	ssyncadd.s32 $0xFFFFC000  }
0x28: {  	[tilespmem:s7], [sflag:$0x1] =	stream.indirect.gather [hbm4b:s5+s6], $0x80, s17, s6, $0xb8;
	[tilespmem:$0x10500] =	vst v63  }
0x29: {  	s19 =	smul.u32 $0x14000, s18;
	s18 =	simm.s32 $0x380  }
0x2a: {  	[tilespmem:s9], [sflag:$0x2] =	stream.indirect.gather [hbm4b:s8+s6], $0x80, s18, s6, $0xb8;
	[tilespmem:$0x10500] =	vst v63  }
0x2b: {  	s0 =	sshrl.u32 s19, $0x3;
	_ =	swait.ge [sflag:s13], $0x4000  }
0x2c: {  	s20 =	sadd.s32 $0x800, s0;
	[sflag:s13] =	ssyncset.done $0x0  }
0x2d: {  	s19 =	sadd.s32 s30, s20;
	[sflag:s13] =	ssyncadd.s32 $0xFFFFC000  }
0x2e: {  	[hbm4b:s19+s2] =	stream.linear.scatter [tilespmem:s10], [sflag:$0x3], $0x4000, $0x38;
	[tilespmem:$0x10500] =	vst v63  }
0x2f: {  	_ =	swait.ge [sflag:s3], $0x4000  }
0x30: {  	[sflag:s3] =	ssyncset.done $0x0  }
0x31: {  	[sflag:s3] =	ssyncadd.s32 $0xFFFFC000  }
0x32: {  	_ =	swait.ge [sflag:s15], $0x4000  }
0x33: {  	[sflag:s15] =	ssyncset.done $0x0  }
0x34: {  	s20 =	sadd.s32 s25, s20;
	[sflag:s15] =	ssyncadd.s32 $0xFFFFC000  }
0x35: {  	[hbm4b:s20+s2] =	stream.linear.scatter [tilespmem:s12], [sflag:$0x3], $0x4000, $0x38;
	[tilespmem:$0x10500] =	vst v63  }
0x36: {  	_ =	swait.ge [sflag:s3], $0x4000  }
0x37: {  	[sflag:s3] =	ssyncset.done $0x0  }
0x38: {  	s21 =	simm.s32 $0x180;
	[sflag:s3] =	ssyncadd.s32 $0xFFFFC000  }
0x39: {  	[tilespmem:s10], [sflag:$0x1] =	stream.indirect.gather [hbm4b:s5+s6], $0x80, s21, s6, $0xb8;
	[tilespmem:$0x10500] =	vst v63  }
0x3a: {  	s22 =	simm.s32 $0x400  }
0x3b: {  	[tilespmem:s12], [sflag:$0x2] =	stream.indirect.gather [hbm4b:s8+s6], $0x80, s22, s6, $0xb8;
	[tilespmem:$0x10500] =	vst v63  }
0x3c: {  	_ =	swait.ge [sflag:s13], $0x4000  }
0x3d: {  	s24 =	sadd.s32 $0x1000, s0;
	[sflag:s13] =	ssyncset.done $0x0  }
0x3e: {  	s23 =	sadd.s32 s30, s24;
	[sflag:s13] =	ssyncadd.s32 $0xFFFFC000  }
0x3f: {  	[hbm4b:s23+s2] =	stream.linear.scatter [tilespmem:s7], [sflag:$0x3], $0x4000, $0x38;
	[tilespmem:$0x10500] =	vst v63  }
0x40: {  	_ =	swait.ge [sflag:s3], $0x4000  }
0x41: {  	[sflag:s3] =	ssyncset.done $0x0  }
0x42: {  	[sflag:s3] =	ssyncadd.s32 $0xFFFFC000  }
0x43: {  	_ =	swait.ge [sflag:s15], $0x4000  }
0x44: {  	s31 =	smov.u32 s25;
	[sflag:s15] =	ssyncset.done $0x0  }
0x45: {  	s24 =	sadd.s32 s25, s24;
	[dreg:$0x5] =	wrdreg s31;
	[sflag:s15] =	ssyncadd.s32 $0xFFFFC000  }
0x46: {  	[hbm4b:s24+s2] =	stream.linear.scatter [tilespmem:s9], [sflag:$0x3], $0x4000, $0x38;
	[tilespmem:$0x10500] =	vst v63  }
0x47: {  	_ =	swait.ge [sflag:s3], $0x4000  }
0x48: {  	[sflag:s3] =	ssyncset.done $0x0  }
0x49: {  	s25 =	simm.s32 $0x200;
	[sflag:s3] =	ssyncadd.s32 $0xFFFFC000  }
0x4a: {  	[tilespmem:s7], [sflag:$0x1] =	stream.indirect.gather [hbm4b:s5+s6], $0x80, s25, s6, $0xb8;
	[tilespmem:$0x10500] =	vst v63  }
0x4b: {  	s26 =	simm.s32 $0x480  }
0x4c: {  	[tilespmem:s9], [sflag:$0x2] =	stream.indirect.gather [hbm4b:s8+s6], $0x80, s26, s6, $0xb8;
	[tilespmem:$0x10500] =	vst v63  }
0x4d: {  	_ =	swait.ge [sflag:s13], $0x4000  }
0x4e: {  	s29 =	sadd.s32 $0x1800, s0;
	[sflag:s13] =	ssyncset.done $0x0  }
0x4f: {  	s28 =	sadd.s32 s30, s29;
	[sflag:s13] =	ssyncadd.s32 $0xFFFFC000  }
0x50: {  	[hbm4b:s28+s2] =	stream.linear.scatter [tilespmem:s10], [sflag:$0x3], $0x4000, $0x38;
	[tilespmem:$0x10500] =	vst v63  }
0x51: {  	_ =	swait.ge [sflag:s3], $0x4000  }
0x52: {  	[sflag:s3] =	ssyncset.done $0x0  }
0x53: {  	[sflag:s3] =	ssyncadd.s32 $0xFFFFC000  }
0x54: {  	_ =	swait.ge [sflag:s15], $0x4000  }
0x55: {  	[sflag:s15] =	ssyncset.done $0x0  }
0x56: {  	s29 =	sadd.s32 s31, s29;
	[sflag:s15] =	ssyncadd.s32 $0xFFFFC000  }
0x57: {  	[hbm4b:s29+s2] =	stream.linear.scatter [tilespmem:s12], [sflag:$0x3], $0x4000, $0x38;
	[tilespmem:$0x10500] =	vst v63  }
0x58: {  	_ =	swait.ge [sflag:s3], $0x4000  }
0x59: {  	[sflag:s3] =	ssyncset.done $0x0  }
0x5a: {  	[sflag:s3] =	ssyncadd.s32 $0xFFFFC000  }
0x5b: {  	_ =	swait.ge [sflag:s13], $0x4000  }
0x5c: {  	s1 =	ssub.s32 $0x2, s1;
	s0 =	sadd.s32 $0x2000, s0;
	[sflag:s13] =	ssyncset.done $0x0  }
0x5d: {  	s30 =	sadd.s32 s30, s0;
	s31 =	sshrl.u32 s1, $0x1;
	[sflag:s13] =	ssyncadd.s32 $0xFFFFC000  }
0x5e: {  	[hbm4b:s30+s2] =	stream.linear.scatter [tilespmem:s7], [sflag:$0x3], $0x4000, $0x38;
	[tilespmem:$0x10500] =	vst v63  }
0x5f: {  	s1 =	ssub.s32 s1, s31;
	_ =	swait.ge [sflag:s3], $0x4000  }
0x60: {  	s1 =	smax.u32 s1, $0x1;
	[sflag:s3] =	ssyncset.done $0x0  }
0x61: {  	p0 =	sne.s32 s1, $0x1;
	[sflag:s3] =	ssyncadd.s32 $0xFFFFC000  }
.Ltmp0:
0x62: {  	_ =	swait.ge [sflag:s15], $0x4000;
	(pc) =	sbr.rel @!p0 .LBB2_2-.Ltmp0, $4  }
0x63: {  	[sflag:s15] =	ssyncset.done $0x0;
	s31 =	rddreg [dreg:$0x5]  }
0x64: {  	s31 =	sadd.s32 s31, s0;
	[sflag:s15] =	ssyncadd.s32 $0xFFFFC000  }
0x65: {  	[hbm4b:s31+s2] =	stream.linear.scatter [tilespmem:s9], [sflag:$0x3], $0x4000, $0x38;
	[tilespmem:$0x10500] =	vst v63  }
0x66: {  	s1 =	sadd.s32 $0xFFFFFFFF, s1;
	_ =	swait.ge [sflag:s3], $0x4000  }
.LBB2_1:
0x67: {  	[sflag:s3] =	ssyncset.done $0x0  }
0x68: {  	s0 =	rddreg [dreg:$0x3];
	[sflag:s3] =	ssyncadd.s32 $0xFFFFC000  }
0x69: {  	[tilespmem:s2], [sflag:$0x3] =	stream.linear.gather [hbm4b:s0+s2], $0x280, $0x38;
	[tilespmem:$0x10500] =	vst v63  }
0x6a: {  	_ =	swait.ge [sflag:s3], $0x280  }
0x6b: {  	[sflag:s3] =	ssyncset.done $0x0  }
0x6c: {  	s0 =	rddreg [dreg:$0x4];
	[sflag:s3] =	ssyncadd.s32 $0xFFFFFD80  }
0x6d: {  	[tilespmem:s4], [sflag:$0x3] =	stream.linear.gather [hbm4b:s0+s2], $0x280, $0x38;
	[tilespmem:$0x10500] =	vst v63  }
0x6e: {  	_ =	swait.ge [sflag:s3], $0x280  }
0x6f: {  	[sflag:s3] =	ssyncset.done $0x0  }
0x70: {  	[sflag:s3] =	ssyncadd.s32 $0xFFFFFD80  }
0x71: {  	[tilespmem:s7], [sflag:$0x1] =	stream.indirect.gather [hbm4b:s5+s6], $0x80, s2, s6, $0xb8;
	[tilespmem:$0x10500] =	vst v63  }
0x72: {  	_ = 	snop  }
0x73: {  	[tilespmem:s9], [sflag:$0x2] =	stream.indirect.gather [hbm4b:s8+s6], $0x80, s4, s6, $0xb8;
	[tilespmem:$0x10500] =	vst v63  }
0x74: {  	_ = 	snop  }
0x75: {  	[tilespmem:s10], [sflag:$0x1] =	stream.indirect.gather [hbm4b:s5+s6], $0x80, s6, s6, $0xb8;
	[tilespmem:$0x10500] =	vst v63  }
0x76: {  	_ = 	snop  }
0x77: {  	[tilespmem:s12], [sflag:$0x2] =	stream.indirect.gather [hbm4b:s8+s6], $0x80, s11, s6, $0xb8;
	[tilespmem:$0x10500] =	vst v63  }
0x78: {  	_ =	swait.ge [sflag:s13], $0x4000  }
0x79: {  	[sflag:s13] =	ssyncset.done $0x0  }
0x7a: {  	[sflag:s13] =	ssyncadd.s32 $0xFFFFC000  }
0x7b: {  	[hbm4b:s14+s2] =	stream.linear.scatter [tilespmem:s7], [sflag:$0x3], $0x4000, $0x38;
	[tilespmem:$0x10500] =	vst v63  }
0x7c: {  	_ =	swait.ge [sflag:s3], $0x4000  }
0x7d: {  	[sflag:s3] =	ssyncset.done $0x0  }
0x7e: {  	[sflag:s3] =	ssyncadd.s32 $0xFFFFC000  }
0x7f: {  	_ =	swait.ge [sflag:s15], $0x4000  }
0x80: {  	[sflag:s15] =	ssyncset.done $0x0  }
0x81: {  	[sflag:s15] =	ssyncadd.s32 $0xFFFFC000  }
0x82: {  	[hbm4b:s16+s2] =	stream.linear.scatter [tilespmem:s9], [sflag:$0x3], $0x4000, $0x38;
	[tilespmem:$0x10500] =	vst v63  }
0x83: {  	_ =	swait.ge [sflag:s3], $0x4000  }
0x84: {  	[sflag:s3] =	ssyncset.done $0x0  }
0x85: {  	[sflag:s3] =	ssyncadd.s32 $0xFFFFC000  }
0x86: {  	[tilespmem:s7], [sflag:$0x1] =	stream.indirect.gather [hbm4b:s5+s6], $0x80, s17, s6, $0xb8;
	[tilespmem:$0x10500] =	vst v63  }
0x87: {  	_ = 	snop  }
0x88: {  	[tilespmem:s9], [sflag:$0x2] =	stream.indirect.gather [hbm4b:s8+s6], $0x80, s18, s6, $0xb8;
	[tilespmem:$0x10500] =	vst v63  }
0x89: {  	_ =	swait.ge [sflag:s13], $0x4000  }
0x8a: {  	[sflag:s13] =	ssyncset.done $0x0  }
0x8b: {  	[sflag:s13] =	ssyncadd.s32 $0xFFFFC000  }
0x8c: {  	[hbm4b:s19+s2] =	stream.linear.scatter [tilespmem:s10], [sflag:$0x3], $0x4000, $0x38;
	[tilespmem:$0x10500] =	vst v63  }
0x8d: {  	_ =	swait.ge [sflag:s3], $0x4000  }
0x8e: {  	[sflag:s3] =	ssyncset.done $0x0  }
0x8f: {  	[sflag:s3] =	ssyncadd.s32 $0xFFFFC000  }
0x90: {  	_ =	swait.ge [sflag:s15], $0x4000  }
0x91: {  	[sflag:s15] =	ssyncset.done $0x0  }
0x92: {  	[sflag:s15] =	ssyncadd.s32 $0xFFFFC000  }
0x93: {  	[hbm4b:s20+s2] =	stream.linear.scatter [tilespmem:s12], [sflag:$0x3], $0x4000, $0x38;
	[tilespmem:$0x10500] =	vst v63  }
0x94: {  	_ =	swait.ge [sflag:s3], $0x4000  }
0x95: {  	[sflag:s3] =	ssyncset.done $0x0  }
0x96: {  	[sflag:s3] =	ssyncadd.s32 $0xFFFFC000  }
0x97: {  	[tilespmem:s10], [sflag:$0x1] =	stream.indirect.gather [hbm4b:s5+s6], $0x80, s21, s6, $0xb8;
	[tilespmem:$0x10500] =	vst v63  }
0x98: {  	_ = 	snop  }
0x99: {  	[tilespmem:s12], [sflag:$0x2] =	stream.indirect.gather [hbm4b:s8+s6], $0x80, s22, s6, $0xb8;
	[tilespmem:$0x10500] =	vst v63  }
0x9a: {  	_ =	swait.ge [sflag:s13], $0x4000  }
0x9b: {  	[sflag:s13] =	ssyncset.done $0x0  }
0x9c: {  	[sflag:s13] =	ssyncadd.s32 $0xFFFFC000  }
0x9d: {  	[hbm4b:s23+s2] =	stream.linear.scatter [tilespmem:s7], [sflag:$0x3], $0x4000, $0x38;
	[tilespmem:$0x10500] =	vst v63  }
0x9e: {  	_ =	swait.ge [sflag:s3], $0x4000  }
0x9f: {  	[sflag:s3] =	ssyncset.done $0x0  }
0xa0: {  	[sflag:s3] =	ssyncadd.s32 $0xFFFFC000  }
0xa1: {  	_ =	swait.ge [sflag:s15], $0x4000  }
0xa2: {  	[sflag:s15] =	ssyncset.done $0x0  }
0xa3: {  	[sflag:s15] =	ssyncadd.s32 $0xFFFFC000  }
0xa4: {  	[hbm4b:s24+s2] =	stream.linear.scatter [tilespmem:s9], [sflag:$0x3], $0x4000, $0x38;
	[tilespmem:$0x10500] =	vst v63  }
0xa5: {  	_ =	swait.ge [sflag:s3], $0x4000  }
0xa6: {  	[sflag:s3] =	ssyncset.done $0x0  }
0xa7: {  	[sflag:s3] =	ssyncadd.s32 $0xFFFFC000  }
0xa8: {  	[tilespmem:s7], [sflag:$0x1] =	stream.indirect.gather [hbm4b:s5+s6], $0x80, s25, s6, $0xb8;
	[tilespmem:$0x10500] =	vst v63  }
0xa9: {  	_ = 	snop  }
0xaa: {  	[tilespmem:s9], [sflag:$0x2] =	stream.indirect.gather [hbm4b:s8+s6], $0x80, s26, s6, $0xb8;
	[tilespmem:$0x10500] =	vst v63  }
0xab: {  	_ =	swait.ge [sflag:s13], $0x4000  }
0xac: {  	[sflag:s13] =	ssyncset.done $0x0  }
0xad: {  	[sflag:s13] =	ssyncadd.s32 $0xFFFFC000  }
0xae: {  	[hbm4b:s28+s2] =	stream.linear.scatter [tilespmem:s10], [sflag:$0x3], $0x4000, $0x38;
	[tilespmem:$0x10500] =	vst v63  }
0xaf: {  	_ =	swait.ge [sflag:s3], $0x4000  }
0xb0: {  	[sflag:s3] =	ssyncset.done $0x0  }
0xb1: {  	[sflag:s3] =	ssyncadd.s32 $0xFFFFC000  }
0xb2: {  	_ =	swait.ge [sflag:s15], $0x4000  }
0xb3: {  	[sflag:s15] =	ssyncset.done $0x0  }
0xb4: {  	[sflag:s15] =	ssyncadd.s32 $0xFFFFC000  }
0xb5: {  	[hbm4b:s29+s2] =	stream.linear.scatter [tilespmem:s12], [sflag:$0x3], $0x4000, $0x38;
	[tilespmem:$0x10500] =	vst v63  }
0xb6: {  	_ =	swait.ge [sflag:s3], $0x4000  }
0xb7: {  	[sflag:s3] =	ssyncset.done $0x0  }
0xb8: {  	[sflag:s3] =	ssyncadd.s32 $0xFFFFC000  }
0xb9: {  	_ =	swait.ge [sflag:s13], $0x4000  }
0xba: {  	[sflag:s13] =	ssyncset.done $0x0  }
0xbb: {  	[sflag:s13] =	ssyncadd.s32 $0xFFFFC000  }
0xbc: {  	[hbm4b:s30+s2] =	stream.linear.scatter [tilespmem:s7], [sflag:$0x3], $0x4000, $0x38;
	[tilespmem:$0x10500] =	vst v63  }
0xbd: {  	_ =	swait.ge [sflag:s3], $0x4000  }
0xbe: {  	[sflag:s3] =	ssyncset.done $0x0  }
0xbf: {  	p0 =	sne.s32 s1, $0x1;
	[sflag:s3] =	ssyncadd.s32 $0xFFFFC000  }
.Ltmp1:
0xc0: {  	_ =	swait.ge [sflag:s15], $0x4000;
	(pc) =	sbr.rel @p0 .LBB2_1-.Ltmp1, $4  }
0xc1: {  	[sflag:s15] =	ssyncset.done $0x0  }
0xc2: {  	[sflag:s15] =	ssyncadd.s32 $0xFFFFC000  }
0xc3: {  	[hbm4b:s31+s2] =	stream.linear.scatter [tilespmem:s9], [sflag:$0x3], $0x4000, $0x38;
	[tilespmem:$0x10500] =	vst v63  }
0xc4: {  	s1 =	sadd.s32 $0xFFFFFFFF, s1;
	_ =	swait.ge [sflag:s3], $0x4000  }
.LBB2_2:
0xc5: {  	[sflag:s3] =	ssyncset.done $0x0  }
0xc6: {  	[sflag:s3] =	ssyncadd.s32 $0xFFFFC000  }
0xc7: {  	_ =	sfence.sel $0x180000  }
0xc8: {  	[bflag:$0x0] =	sbarrier.arrive $0xFFFF  }
0xc9: {  	_ =	strace $0x90000047  }
0xca: {  	s0 =	stileid.u32;
	[bflag:$0x2] =	sbarrier.arrive $0xFFFF  }
0xcb: {  	p0 =	sne.s32 s0, $0x0;
	s0 =	rddreg [dreg:$0x2]  }
0xcc: {  	s0 =	sadd.s32 @!p0 $0x100000, s0  }
0xcd: {  	[sflag:s0] =	ssyncadd.tile.s32 @!p0 $0x1;
	_ =	shalt  }
.Lfunc_end2:
_tile_overlayer_lowered:
.L_overlay_start_2:
0xce: {  	(tag) =	ssettag $0x2  }
0xcf: {  	s0 =	rddreg [dreg:$0x0];
	s2 =	stileid.u32  }
0xd0: {  	s1 =	rddreg [dreg:$0x1];
	p0 =	sne.s32 s2, $0x0  }
0xd1: {  	s3 =	rddreg [dreg:$0x2];
	[bflag:$0x3] =	sbarrier.arrive $0xFFFF;
	s2 =	simm.s32 @!p0 $0x1C03  }
0xd2: {  	[timem:s3], [sflag:s2] =	dma.local @!p0 [hbm:s0], s1  }
0xd3: {  	s0 =	simm.s32 @!p0 $0x3  }
0xd4: {  	_ =	swait.ge @!p0 [sflag:s0], s1  }
0xd5: {  	s1 =	ssub.s32 @!p0 $0x0, s1;
	[sflag:s0] =	ssyncset.done @!p0 $0x0  }
0xd6: {  	[sflag:s0] =	ssyncadd.s32 @!p0 s1  }
0xd7: {  	[bflag:$0x3] =	sbarrier.arrive $0xFFFF  }
0xd8: {  	_ =	shalt  }

</sc_bundles>
